<compile_context>
chip_gen: v7x
topology: tpu7x:2x2x1
jax: 0.10.2.dev20260603
libtpu: 0.0.44.dev20260713+nightly
codegen_flags: <defaults>
</compile_context>

<pallas_src>
import jax
import jax.numpy as jnp
from jax import lax
from jax.experimental import pallas as pl
from jax.experimental.pallas import tpu as pltpu, tpu_sc as plsc

_B = 1024
_D = 32
_L = 16
_NC = 2
_NS = 16
_NW = _NC * _NS
_RPW = _B // _NW
_NCHUNK = _B // _L
_TCBLK = 512


def _d2_kernel(a_ref, e_ref, out_ref):
    a = a_ref[...]
    e = e_ref[...]
    g = lax.dot_general(a, e, dimension_numbers=(((1,), (1,)), ((), ())),
                        preferred_element_type=jnp.float32)
    na = jnp.sum(a * a, axis=1, keepdims=True)
    ne = jnp.sum(e * e, axis=1).reshape(1, _B)
    d2 = jnp.maximum(na + ne - 2.0 * g, 0.0)
    lo = lax.bitcast_convert_type(d2[:, :_B // 2].astype(jnp.bfloat16),
                                  jnp.uint16).astype(jnp.uint32)
    hi = lax.bitcast_convert_type(d2[:, _B // 2:].astype(jnp.bfloat16),
                                  jnp.uint16).astype(jnp.uint32)
    out_ref[...] = lax.bitcast_convert_type(lo | (hi << 16), jnp.float32)


def _newton_sqrt(x):
    i = lax.bitcast_convert_type(x, jnp.int32)
    i = jnp.int32(0x5F3759DF) - lax.shift_right_arithmetic(i, 1)
    y = lax.bitcast_convert_type(i, jnp.float32)
    for _ in range(1):
        y = y * (1.5 - 0.5 * x * y * y)
    return x * y


def _splat(ref, idx):
    return plsc.load_gather(ref, [jnp.full((_L,), idx, jnp.int32)])


_H = _RPW // 2


def _sc_body(d2_hbm, lab_hbm, out_hbm, d2_v, lab_v, out_v,
             sem_i0, sem_i1, sem_o0):
    wid = lax.axis_index("s") * _NC + lax.axis_index("c")
    base = wid * _RPW
    cp_i0 = pltpu.async_copy(d2_hbm.at[pl.ds(base, _H)],
                             d2_v.at[pl.ds(0, _H)], sem_i0)
    cp_i1 = pltpu.async_copy(d2_hbm.at[pl.ds(base + _H, _H)],
                             d2_v.at[pl.ds(_H, _H)], sem_i1)
    pltpu.sync_copy(lab_hbm, lab_v)

    def half(r0):
        @plsc.parallel_loop(r0, r0 + _H)
        def row_body(r):
            lab_r = _splat(lab_v, base + r)

            @plsc.parallel_loop(0, _NCHUNK // 2, unroll=8)
            def chunk_body(cc):
                c0 = cc * _L
                x = d2_v[r, pl.ds(c0, _L)]
                xb = plsc.bitcast(x, jnp.bfloat16)
                xlo, xhi = plsc.unpack(xb, format=plsc.PackFormat.INTERLEAVED,
                                       preferred_element_type=jnp.float32)
                for xv, col in ((xlo, c0), (xhi, c0 + _B // 2)):
                    dist = _newton_sqrt(xv + 1e-12)
                    eq = jnp.where(lab_v[pl.ds(col, _L)] == lab_r, 1.0, 0.0)
                    diff = eq - dist
                    out_v[r, pl.ds(col, _L)] = diff * diff

    cp_i0.wait()
    half(0)
    cp_o0 = pltpu.async_copy(out_v.at[pl.ds(0, _H)],
                             out_hbm.at[pl.ds(base, _H)], sem_o0)
    cp_i1.wait()
    half(_H)
    cp_o0.wait()
    pltpu.sync_copy(out_v.at[pl.ds(_H, _H)], out_hbm.at[pl.ds(base + _H, _H)])


def kernel(embeddings, labels):
    labels = labels.astype(jnp.int32)
    d2 = pl.pallas_call(
        _d2_kernel,
        grid=(_B // _TCBLK,),
        in_specs=[
            pl.BlockSpec((_TCBLK, _D), lambda i: (i, 0)),
            pl.BlockSpec((_B, _D), lambda i: (0, 0)),
        ],
        out_specs=pl.BlockSpec((_TCBLK, _B // 2), lambda i: (i, 0)),
        out_shape=jax.ShapeDtypeStruct((_B, _B // 2), jnp.float32),
    )(embeddings, embeddings)
    mesh = plsc.VectorSubcoreMesh(
        core_axis_name="c", subcore_axis_name="s",
        num_cores=_NC, num_subcores=_NS)
    out = pl.kernel(
        _sc_body,
        out_type=jax.ShapeDtypeStruct((_B, _B), jnp.float32),
        mesh=mesh,
        compiler_params=pltpu.CompilerParams(needs_layout_passes=False),
        scratch_types=[
            pltpu.VMEM((_RPW, _B // 2), jnp.float32),
            pltpu.VMEM((_B,), jnp.int32),
            pltpu.VMEM((_RPW, _B), jnp.float32),
            pltpu.SemaphoreType.DMA,
            pltpu.SemaphoreType.DMA,
            pltpu.SemaphoreType.DMA,
        ],
    )(d2, labels)
    return out.reshape(-1)

# --- scband reference (transcript-rebuilt; emitter-appended) ---
"""Pipeline reference for scband-product-loss-51367808860812 (READ-ONLY COPY).

The authoritative reference and input builder live on the scoring server;
editing this copy changes nothing except your own understanding.
"""

import jax, jax.numpy as jnp
import numpy as np


def setup_inputs(seed: int = 0) -> dict:
    key = jax.random.key(seed)
    k1, k2 = jax.random.split(key)
    embeddings = jax.random.normal(k1, (1024, 32), dtype=jnp.float32)
    labels = jax.random.randint(k2, (1024,), 0, 100, dtype=jnp.int64)
    return {"embeddings": embeddings, "labels": labels}


def reference(embeddings, labels):
    # ProductLoss with a 2-input metric_layer (L2 distance), target_function = label equality,
    # loss = elementwise squared error between target and metric, over all B^2 ordered pairs.
    B = embeddings.shape[0]
    idx = jnp.arange(B, dtype=jnp.int32)
    # tf.meshgrid default indexing is 'xy'
    ii, jj = jnp.meshgrid(idx, idx)
    ii = ii.reshape(-1)
    jj = jj.reshape(-1)
    # gather embeddings and labels for each pair (memory-bound gathers of B^2 rows)
    a = jnp.take(embeddings, ii, axis=0)
    b = jnp.take(embeddings, jj, axis=0)
    la = jnp.take(labels, ii, axis=0)
    lb = jnp.take(labels, jj, axis=0)
    # target_function: 1.0 if same label else 0.0
    target = (la == lb).astype(jnp.float32).reshape(-1)
    # metric_layer: L2 distance between the two gathered embeddings
    dist = jnp.sqrt(jnp.sum((a - b) ** 2, axis=-1) + 1e-12).reshape(-1)
    # loss: elementwise squared error (MSE per pair)
    loss = (target - dist) ** 2
    return loss

if __name__ == "__main__":
    import jax
    _d = setup_inputs()
    print(jax.jit(kernel)(*tuple(_d.values())))

</pallas_src>

<mosaic_0001>
#map = affine_map<(d0, d1) -> (0, 0)>
#map1 = affine_map<(d0, d1) -> (0)>
module attributes {stable_mosaic.version = 14 : i64} {
  func.func @_sc_body(%arg0: i32, %arg1: i32, %arg2: memref<1024x512xf32, #tpu.memory_space<hbm>>, %arg3: memref<1024xi32, #tpu.memory_space<hbm>>, %arg4: memref<1024x1024xf32, #tpu.memory_space<hbm>>, %arg5: memref<32x512xf32, #tpu.memory_space<vmem>>, %arg6: memref<1024xi32, #tpu.memory_space<vmem>>, %arg7: memref<32x1024xf32, #tpu.memory_space<vmem>>, %arg8: memref<!tpu.dma_semaphore, #tpu.memory_space<semaphore_mem>>, %arg9: memref<!tpu.dma_semaphore, #tpu.memory_space<semaphore_mem>>, %arg10: memref<!tpu.dma_semaphore, #tpu.memory_space<semaphore_mem>>) attributes {dimension_semantics = [#tpu.dimension_semantics<core_parallel>, #tpu.dimension_semantics<subcore_parallel>], iteration_bounds = array<i64: 2, 16>, scalar_prefetch = 0 : i64, scratch_operands = 6 : i64, tpu.core_type = #tpu.core_type<sc_vector_subcore>, window_params = [{transform_indices = #map}, {transform_indices = #map1}, {transform_indices = #map}]} {
    %mul3A = arith.constant 2 : i32
    %mul3A_0 = arith.muli %arg1, %mul3A : i32
    %add3A = arith.addi %mul3A_0, %arg0 : i32
    %mul3A_1 = arith.constant 32 : i32
    %mul3A_2 = arith.muli %add3A, %mul3A_1 : i32
    %dma_start3A = arith.constant 0 : i32
    %dma_start3A_3 = arith.constant 0 : i32
    %dma_start3A_4 = tpu.memref_slice %arg5[%dma_start3A, %dma_start3A_3] : memref<32x512xf32, #tpu.memory_space<vmem>> -> memref<16x512xf32, #tpu.memory_space<vmem>>
    %dma_start3A_5 = arith.constant 0 : i32
    %dma_start3A_6 = tpu.memref_slice %arg2[%mul3A_2, %dma_start3A_5] : memref<1024x512xf32, #tpu.memory_space<hbm>> -> memref<16x512xf32, #tpu.memory_space<hbm>>
    %dma_start3A_7 = arith.constant 0 : i32
    %dma_start3A_8 = arith.constant 0 : i32
    %dma_start3A_9 = tpu.memref_slice %arg5[%dma_start3A_7, %dma_start3A_8] : memref<32x512xf32, #tpu.memory_space<vmem>> -> memref<16x512xf32, #tpu.memory_space<vmem>>
    %dma_start3A_10 = arith.constant 0 : i32
    %dma_start3A_11 = tpu.memref_slice %arg2[%mul3A_2, %dma_start3A_10] : memref<1024x512xf32, #tpu.memory_space<hbm>> -> memref<16x512xf32, #tpu.memory_space<hbm>>
    tpu.enqueue_dma source(%dma_start3A_11 : memref<16x512xf32, #tpu.memory_space<hbm>>) target(%dma_start3A_9 : memref<16x512xf32, #tpu.memory_space<vmem>>) target_semaphore(%arg8 : memref<!tpu.dma_semaphore, #tpu.memory_space<semaphore_mem>>)
    %add3A_12 = arith.constant 16 : i32
    %add3A_13 = arith.addi %mul3A_2, %add3A_12 : i32
    %dma_start3A_14 = arith.constant 16 : i32
    %dma_start3A_15 = arith.constant 0 : i32
    %dma_start3A_16 = tpu.memref_slice %arg5[%dma_start3A_14, %dma_start3A_15] : memref<32x512xf32, #tpu.memory_space<vmem>> -> memref<16x512xf32, #tpu.memory_space<vmem>>
    %dma_start3A_17 = arith.constant 0 : i32
    %dma_start3A_18 = tpu.memref_slice %arg2[%add3A_13, %dma_start3A_17] : memref<1024x512xf32, #tpu.memory_space<hbm>> -> memref<16x512xf32, #tpu.memory_space<hbm>>
    %dma_start3A_19 = arith.constant 16 : i32
    %dma_start3A_20 = arith.constant 0 : i32
    %dma_start3A_21 = tpu.memref_slice %arg5[%dma_start3A_19, %dma_start3A_20] : memref<32x512xf32, #tpu.memory_space<vmem>> -> memref<16x512xf32, #tpu.memory_space<vmem>>
    %dma_start3A_22 = arith.constant 0 : i32
    %dma_start3A_23 = tpu.memref_slice %arg2[%add3A_13, %dma_start3A_22] : memref<1024x512xf32, #tpu.memory_space<hbm>> -> memref<16x512xf32, #tpu.memory_space<hbm>>
    tpu.enqueue_dma source(%dma_start3A_23 : memref<16x512xf32, #tpu.memory_space<hbm>>) target(%dma_start3A_21 : memref<16x512xf32, #tpu.memory_space<vmem>>) target_semaphore(%arg9 : memref<!tpu.dma_semaphore, #tpu.memory_space<semaphore_mem>>)
    "tpu.region"() ({
      %run_scoped3A = tpu.sem_alloc : memref<!tpu.dma_semaphore, #tpu.memory_space<semaphore_mem>>
      tpu.enqueue_dma source(%arg3 : memref<1024xi32, #tpu.memory_space<hbm>>) target(%arg6 : memref<1024xi32, #tpu.memory_space<vmem>>) target_semaphore(%run_scoped3A : memref<!tpu.dma_semaphore, #tpu.memory_space<semaphore_mem>>)
      tpu.wait_dma2 semaphore(%run_scoped3A : memref<!tpu.dma_semaphore, #tpu.memory_space<semaphore_mem>>) src(%arg3 : memref<1024xi32, #tpu.memory_space<hbm>>) dst(%arg6 : memref<1024xi32, #tpu.memory_space<vmem>>)
      tpu.yield
    }) : () -> ()
    %dma_wait3A = arith.constant 0 : i32
    %dma_wait3A_24 = arith.constant 0 : i32
    %dma_wait3A_25 = tpu.memref_slice %arg5[%dma_wait3A, %dma_wait3A_24] : memref<32x512xf32, #tpu.memory_space<vmem>> -> memref<16x512xf32, #tpu.memory_space<vmem>>
    %dma_wait3A_26 = arith.constant 0 : i32
    %dma_wait3A_27 = tpu.memref_slice %arg2[%mul3A_2, %dma_wait3A_26] : memref<1024x512xf32, #tpu.memory_space<hbm>> -> memref<16x512xf32, #tpu.memory_space<hbm>>
    %dma_wait3A_28 = arith.constant 0 : i32
    %dma_wait3A_29 = arith.constant 0 : i32
    %dma_wait3A_30 = tpu.memref_slice %arg5[%dma_wait3A_28, %dma_wait3A_29] : memref<32x512xf32, #tpu.memory_space<vmem>> -> memref<16x512xf32, #tpu.memory_space<vmem>>
    %dma_wait3A_31 = arith.constant 0 : i32
    %dma_wait3A_32 = tpu.memref_slice %arg2[%mul3A_2, %dma_wait3A_31] : memref<1024x512xf32, #tpu.memory_space<hbm>> -> memref<16x512xf32, #tpu.memory_space<hbm>>
    tpu.wait_dma2 semaphore(%arg8 : memref<!tpu.dma_semaphore, #tpu.memory_space<semaphore_mem>>) src(%dma_wait3A_32 : memref<16x512xf32, #tpu.memory_space<hbm>>) dst(%dma_wait3A_30 : memref<16x512xf32, #tpu.memory_space<vmem>>)
    %parallel_loop3A = arith.constant 0 : i32
    %parallel_loop3A_33 = arith.constant 16 : i32
    %parallel_loop3A_34 = arith.constant 1 : i32
    scf.for %parallel_loop3A_70 = %parallel_loop3A to %parallel_loop3A_33 step %parallel_loop3A_34  : i32 {
      %parallel_loop3A_71 = arith.addi %mul3A_2, %parallel_loop3A_70 : i32
      %parallel_loop3A_72 = vector.broadcast %parallel_loop3A_71 : i32 to vector<16xi32>
      %parallel_loop3A_73 = tpu.vector_load_idx %arg6[%parallel_loop3A_72] : memref<1024xi32, #tpu.memory_space<vmem>>[vector<16xi32>], vector<16xi32>,
      %parallel_loop3A_74 = arith.constant 0 : i32
      %parallel_loop3A_75 = arith.constant 32 : i32
      %parallel_loop3A_76 = arith.constant 1 : i32
      scf.for %parallel_loop3A_77 = %parallel_loop3A_74 to %parallel_loop3A_75 step %parallel_loop3A_76  : i32 {
        %parallel_loop3A_78 = arith.constant 16 : i32
        %parallel_loop3A_79 = arith.muli %parallel_loop3A_77, %parallel_loop3A_78 : i32
        %parallel_loop3A_80 = arith.index_cast %parallel_loop3A_70 : i32 to index
        %parallel_loop3A_81 = arith.index_cast %parallel_loop3A_79 : i32 to index
        %parallel_loop3A_82 = tpu.vector_load %arg5[%parallel_loop3A_80, %parallel_loop3A_81] {strides = array<i32>} : memref<32x512xf32, #tpu.memory_space<vmem>>, vector<16xf32>,
        %parallel_loop3A_83 = vector.bitcast %parallel_loop3A_82 : vector<16xf32> to vector<32xbf16>
        %parallel_loop3A_84 = tpu.unpack_subelements %parallel_loop3A_83, 0 {pack_format = #tpu.pack_format<interleaved>} : vector<32xbf16> -> vector<16xf32>
        %parallel_loop3A_85 = tpu.unpack_subelements %parallel_loop3A_83, 1 {pack_format = #tpu.pack_format<interleaved>} : vector<32xbf16> -> vector<16xf32>
        %parallel_loop3A_86 = arith.constant 512 : i32
        %parallel_loop3A_87 = arith.addi %parallel_loop3A_79, %parallel_loop3A_86 : i32
        %parallel_loop3A_88 = arith.constant 9.99999996E-13 : f32
        %parallel_loop3A_89 = vector.broadcast %parallel_loop3A_88 : f32 to vector<16xf32>
        %parallel_loop3A_90 = arith.addf %parallel_loop3A_84, %parallel_loop3A_89 : vector<16xf32>
        %parallel_loop3A_91 = tpu.bitcast %parallel_loop3A_90 : vector<16xf32> -> vector<16xi32>
        %parallel_loop3A_92 = arith.constant 1 : i32
        %parallel_loop3A_93 = vector.broadcast %parallel_loop3A_92 : i32 to vector<16xi32>
        %parallel_loop3A_94 = arith.shrsi %parallel_loop3A_91, %parallel_loop3A_93 : vector<16xi32>
        %parallel_loop3A_95 = arith.constant 1597463007 : i32
        %parallel_loop3A_96 = vector.broadcast %parallel_loop3A_95 : i32 to vector<16xi32>
        %parallel_loop3A_97 = arith.subi %parallel_loop3A_96, %parallel_loop3A_94 : vector<16xi32>
        %parallel_loop3A_98 = tpu.bitcast %parallel_loop3A_97 : vector<16xi32> -> vector<16xf32>
        %parallel_loop3A_99 = arith.constant 5.000000e-01 : f32
        %parallel_loop3A_100 = vector.broadcast %parallel_loop3A_99 : f32 to vector<16xf32>
        %parallel_loop3A_101 = arith.mulf %parallel_loop3A_100, %parallel_loop3A_90 : vector<16xf32>
        %parallel_loop3A_102 = arith.mulf %parallel_loop3A_101, %parallel_loop3A_98 : vector<16xf32>
        %parallel_loop3A_103 = arith.mulf %parallel_loop3A_102, %parallel_loop3A_98 : vector<16xf32>
        %parallel_loop3A_104 = arith.constant 1.500000e+00 : f32
        %parallel_loop3A_105 = vector.broadcast %parallel_loop3A_104 : f32 to vector<16xf32>
        %parallel_loop3A_106 = arith.subf %parallel_loop3A_105, %parallel_loop3A_103 : vector<16xf32>
        %parallel_loop3A_107 = arith.mulf %parallel_loop3A_98, %parallel_loop3A_106 : vector<16xf32>
        %parallel_loop3A_108 = arith.mulf %parallel_loop3A_90, %parallel_loop3A_107 : vector<16xf32>
        %parallel_loop3A_109 = arith.index_cast %parallel_loop3A_79 : i32 to index
        %parallel_loop3A_110 = tpu.vector_load %arg6[%parallel_loop3A_109] {strides = array<i32>} : memref<1024xi32, #tpu.memory_space<vmem>>, vector<16xi32>,
        %parallel_loop3A_111 = arith.cmpi eq, %parallel_loop3A_110, %parallel_loop3A_73 : vector<16xi32>
        %parallel_loop3A_112 = arith.constant 1.000000e+00 : f32
        %parallel_loop3A_113 = arith.constant 0.000000e+00 : f32
        %parallel_loop3A_114 = vector.broadcast %parallel_loop3A_112 : f32 to vector<16xf32>
        %parallel_loop3A_115 = vector.broadcast %parallel_loop3A_113 : f32 to vector<16xf32>
        %parallel_loop3A_116 = arith.select %parallel_loop3A_111, %parallel_loop3A_114, %parallel_loop3A_115 : vector<16xi1>, vector<16xf32>
        %parallel_loop3A_117 = arith.subf %parallel_loop3A_116, %parallel_loop3A_108 : vector<16xf32>
        %parallel_loop3A_118 = arith.mulf %parallel_loop3A_117, %parallel_loop3A_117 : vector<16xf32>
        %parallel_loop3A_119 = arith.index_cast %parallel_loop3A_70 : i32 to index
        %parallel_loop3A_120 = arith.index_cast %parallel_loop3A_79 : i32 to index
        %parallel_loop3A_121 = tpu.vector_load %arg7[%parallel_loop3A_119, %parallel_loop3A_120] {strides = array<i32>} : memref<32x1024xf32, #tpu.memory_space<vmem>>, vector<16xf32>,
        tpu.vector_store %arg7[%parallel_loop3A_119, %parallel_loop3A_120], %parallel_loop3A_118 {strides = array<i32>} : memref<32x1024xf32, #tpu.memory_space<vmem>>, vector<16xf32>,
        %parallel_loop3A_122 = arith.constant 9.99999996E-13 : f32
        %parallel_loop3A_123 = vector.broadcast %parallel_loop3A_122 : f32 to vector<16xf32>
        %parallel_loop3A_124 = arith.addf %parallel_loop3A_85, %parallel_loop3A_123 : vector<16xf32>
        %parallel_loop3A_125 = tpu.bitcast %parallel_loop3A_124 : vector<16xf32> -> vector<16xi32>
        %parallel_loop3A_126 = arith.constant 1 : i32
        %parallel_loop3A_127 = vector.broadcast %parallel_loop3A_126 : i32 to vector<16xi32>
        %parallel_loop3A_128 = arith.shrsi %parallel_loop3A_125, %parallel_loop3A_127 : vector<16xi32>
        %parallel_loop3A_129 = arith.constant 1597463007 : i32
        %parallel_loop3A_130 = vector.broadcast %parallel_loop3A_129 : i32 to vector<16xi32>
        %parallel_loop3A_131 = arith.subi %parallel_loop3A_130, %parallel_loop3A_128 : vector<16xi32>
        %parallel_loop3A_132 = tpu.bitcast %parallel_loop3A_131 : vector<16xi32> -> vector<16xf32>
        %parallel_loop3A_133 = arith.constant 5.000000e-01 : f32
        %parallel_loop3A_134 = vector.broadcast %parallel_loop3A_133 : f32 to vector<16xf32>
        %parallel_loop3A_135 = arith.mulf %parallel_loop3A_134, %parallel_loop3A_124 : vector<16xf32>
        %parallel_loop3A_136 = arith.mulf %parallel_loop3A_135, %parallel_loop3A_132 : vector<16xf32>
        %parallel_loop3A_137 = arith.mulf %parallel_loop3A_136, %parallel_loop3A_132 : vector<16xf32>
        %parallel_loop3A_138 = arith.constant 1.500000e+00 : f32
        %parallel_loop3A_139 = vector.broadcast %parallel_loop3A_138 : f32 to vector<16xf32>
        %parallel_loop3A_140 = arith.subf %parallel_loop3A_139, %parallel_loop3A_137 : vector<16xf32>
        %parallel_loop3A_141 = arith.mulf %parallel_loop3A_132, %parallel_loop3A_140 : vector<16xf32>
        %parallel_loop3A_142 = arith.mulf %parallel_loop3A_124, %parallel_loop3A_141 : vector<16xf32>
        %parallel_loop3A_143 = arith.index_cast %parallel_loop3A_87 : i32 to index
        %parallel_loop3A_144 = tpu.vector_load %arg6[%parallel_loop3A_143] {strides = array<i32>} : memref<1024xi32, #tpu.memory_space<vmem>>, vector<16xi32>,
        %parallel_loop3A_145 = arith.cmpi eq, %parallel_loop3A_144, %parallel_loop3A_73 : vector<16xi32>
        %parallel_loop3A_146 = arith.constant 1.000000e+00 : f32
        %parallel_loop3A_147 = arith.constant 0.000000e+00 : f32
        %parallel_loop3A_148 = vector.broadcast %parallel_loop3A_146 : f32 to vector<16xf32>
        %parallel_loop3A_149 = vector.broadcast %parallel_loop3A_147 : f32 to vector<16xf32>
        %parallel_loop3A_150 = arith.select %parallel_loop3A_145, %parallel_loop3A_148, %parallel_loop3A_149 : vector<16xi1>, vector<16xf32>
        %parallel_loop3A_151 = arith.subf %parallel_loop3A_150, %parallel_loop3A_142 : vector<16xf32>
        %parallel_loop3A_152 = arith.mulf %parallel_loop3A_151, %parallel_loop3A_151 : vector<16xf32>
        %parallel_loop3A_153 = arith.index_cast %parallel_loop3A_70 : i32 to index
        %parallel_loop3A_154 = arith.index_cast %parallel_loop3A_87 : i32 to index
        %parallel_loop3A_155 = tpu.vector_load %arg7[%parallel_loop3A_153, %parallel_loop3A_154] {strides = array<i32>} : memref<32x1024xf32, #tpu.memory_space<vmem>>, vector<16xf32>,
        tpu.vector_store %arg7[%parallel_loop3A_153, %parallel_loop3A_154], %parallel_loop3A_152 {strides = array<i32>} : memref<32x1024xf32, #tpu.memory_space<vmem>>, vector<16xf32>,
      } {sc.loop_unroll_factor = 8 : i64, sc.parallel_access}
    } {sc.loop_unroll_factor = 1 : i64, sc.parallel_access}
    %dma_start3A_35 = arith.constant 0 : i32
    %dma_start3A_36 = arith.constant 0 : i32
    %dma_start3A_37 = tpu.memref_slice %arg7[%dma_start3A_35, %dma_start3A_36] : memref<32x1024xf32, #tpu.memory_space<vmem>> -> memref<16x1024xf32, #tpu.memory_space<vmem>>
    %dma_start3A_38 = arith.constant 0 : i32
    %dma_start3A_39 = tpu.memref_slice %arg4[%mul3A_2, %dma_start3A_38] : memref<1024x1024xf32, #tpu.memory_space<hbm>> -> memref<16x1024xf32, #tpu.memory_space<hbm>>
    %dma_start3A_40 = arith.constant 0 : i32
    %dma_start3A_41 = tpu.memref_slice %arg4[%mul3A_2, %dma_start3A_40] : memref<1024x1024xf32, #tpu.memory_space<hbm>> -> memref<16x1024xf32, #tpu.memory_space<hbm>>
    %dma_start3A_42 = arith.constant 0 : i32
    %dma_start3A_43 = arith.constant 0 : i32
    %dma_start3A_44 = tpu.memref_slice %arg7[%dma_start3A_42, %dma_start3A_43] : memref<32x1024xf32, #tpu.memory_space<vmem>> -> memref<16x1024xf32, #tpu.memory_space<vmem>>
    tpu.enqueue_dma source(%dma_start3A_44 : memref<16x1024xf32, #tpu.memory_space<vmem>>) target(%dma_start3A_41 : memref<16x1024xf32, #tpu.memory_space<hbm>>) target_semaphore(%arg10 : memref<!tpu.dma_semaphore, #tpu.memory_space<semaphore_mem>>)
    %dma_wait3A_45 = arith.constant 16 : i32
    %dma_wait3A_46 = arith.constant 0 : i32
    %dma_wait3A_47 = tpu.memref_slice %arg5[%dma_wait3A_45, %dma_wait3A_46] : memref<32x512xf32, #tpu.memory_space<vmem>> -> memref<16x512xf32, #tpu.memory_space<vmem>>
    %dma_wait3A_48 = arith.constant 0 : i32
    %dma_wait3A_49 = tpu.memref_slice %arg2[%add3A_13, %dma_wait3A_48] : memref<1024x512xf32, #tpu.memory_space<hbm>> -> memref<16x512xf32, #tpu.memory_space<hbm>>
    %dma_wait3A_50 = arith.constant 16 : i32
    %dma_wait3A_51 = arith.constant 0 : i32
    %dma_wait3A_52 = tpu.memref_slice %arg5[%dma_wait3A_50, %dma_wait3A_51] : memref<32x512xf32, #tpu.memory_space<vmem>> -> memref<16x512xf32, #tpu.memory_space<vmem>>
    %dma_wait3A_53 = arith.constant 0 : i32
    %dma_wait3A_54 = tpu.memref_slice %arg2[%add3A_13, %dma_wait3A_53] : memref<1024x512xf32, #tpu.memory_space<hbm>> -> memref<16x512xf32, #tpu.memory_space<hbm>>
    tpu.wait_dma2 semaphore(%arg9 : memref<!tpu.dma_semaphore, #tpu.memory_space<semaphore_mem>>) src(%dma_wait3A_54 : memref<16x512xf32, #tpu.memory_space<hbm>>) dst(%dma_wait3A_52 : memref<16x512xf32, #tpu.memory_space<vmem>>)
    %parallel_loop3A_55 = arith.constant 16 : i32
    %parallel_loop3A_56 = arith.constant 32 : i32
    %parallel_loop3A_57 = arith.constant 1 : i32
    scf.for %parallel_loop3A_70 = %parallel_loop3A_55 to %parallel_loop3A_56 step %parallel_loop3A_57  : i32 {
      %parallel_loop3A_71 = arith.addi %mul3A_2, %parallel_loop3A_70 : i32
      %parallel_loop3A_72 = vector.broadcast %parallel_loop3A_71 : i32 to vector<16xi32>
      %parallel_loop3A_73 = tpu.vector_load_idx %arg6[%parallel_loop3A_72] : memref<1024xi32, #tpu.memory_space<vmem>>[vector<16xi32>], vector<16xi32>,
      %parallel_loop3A_74 = arith.constant 0 : i32
      %parallel_loop3A_75 = arith.constant 32 : i32
      %parallel_loop3A_76 = arith.constant 1 : i32
      scf.for %parallel_loop3A_77 = %parallel_loop3A_74 to %parallel_loop3A_75 step %parallel_loop3A_76  : i32 {
        %parallel_loop3A_78 = arith.constant 16 : i32
        %parallel_loop3A_79 = arith.muli %parallel_loop3A_77, %parallel_loop3A_78 : i32
        %parallel_loop3A_80 = arith.index_cast %parallel_loop3A_70 : i32 to index
        %parallel_loop3A_81 = arith.index_cast %parallel_loop3A_79 : i32 to index
        %parallel_loop3A_82 = tpu.vector_load %arg5[%parallel_loop3A_80, %parallel_loop3A_81] {strides = array<i32>} : memref<32x512xf32, #tpu.memory_space<vmem>>, vector<16xf32>,
        %parallel_loop3A_83 = vector.bitcast %parallel_loop3A_82 : vector<16xf32> to vector<32xbf16>
        %parallel_loop3A_84 = tpu.unpack_subelements %parallel_loop3A_83, 0 {pack_format = #tpu.pack_format<interleaved>} : vector<32xbf16> -> vector<16xf32>
        %parallel_loop3A_85 = tpu.unpack_subelements %parallel_loop3A_83, 1 {pack_format = #tpu.pack_format<interleaved>} : vector<32xbf16> -> vector<16xf32>
        %parallel_loop3A_86 = arith.constant 512 : i32
        %parallel_loop3A_87 = arith.addi %parallel_loop3A_79, %parallel_loop3A_86 : i32
        %parallel_loop3A_88 = arith.constant 9.99999996E-13 : f32
        %parallel_loop3A_89 = vector.broadcast %parallel_loop3A_88 : f32 to vector<16xf32>
        %parallel_loop3A_90 = arith.addf %parallel_loop3A_84, %parallel_loop3A_89 : vector<16xf32>
        %parallel_loop3A_91 = tpu.bitcast %parallel_loop3A_90 : vector<16xf32> -> vector<16xi32>
        %parallel_loop3A_92 = arith.constant 1 : i32
        %parallel_loop3A_93 = vector.broadcast %parallel_loop3A_92 : i32 to vector<16xi32>
        %parallel_loop3A_94 = arith.shrsi %parallel_loop3A_91, %parallel_loop3A_93 : vector<16xi32>
        %parallel_loop3A_95 = arith.constant 1597463007 : i32
        %parallel_loop3A_96 = vector.broadcast %parallel_loop3A_95 : i32 to vector<16xi32>
        %parallel_loop3A_97 = arith.subi %parallel_loop3A_96, %parallel_loop3A_94 : vector<16xi32>
        %parallel_loop3A_98 = tpu.bitcast %parallel_loop3A_97 : vector<16xi32> -> vector<16xf32>
        %parallel_loop3A_99 = arith.constant 5.000000e-01 : f32
        %parallel_loop3A_100 = vector.broadcast %parallel_loop3A_99 : f32 to vector<16xf32>
        %parallel_loop3A_101 = arith.mulf %parallel_loop3A_100, %parallel_loop3A_90 : vector<16xf32>
        %parallel_loop3A_102 = arith.mulf %parallel_loop3A_101, %parallel_loop3A_98 : vector<16xf32>
        %parallel_loop3A_103 = arith.mulf %parallel_loop3A_102, %parallel_loop3A_98 : vector<16xf32>
        %parallel_loop3A_104 = arith.constant 1.500000e+00 : f32
        %parallel_loop3A_105 = vector.broadcast %parallel_loop3A_104 : f32 to vector<16xf32>
        %parallel_loop3A_106 = arith.subf %parallel_loop3A_105, %parallel_loop3A_103 : vector<16xf32>
        %parallel_loop3A_107 = arith.mulf %parallel_loop3A_98, %parallel_loop3A_106 : vector<16xf32>
        %parallel_loop3A_108 = arith.mulf %parallel_loop3A_90, %parallel_loop3A_107 : vector<16xf32>
        %parallel_loop3A_109 = arith.index_cast %parallel_loop3A_79 : i32 to index
        %parallel_loop3A_110 = tpu.vector_load %arg6[%parallel_loop3A_109] {strides = array<i32>} : memref<1024xi32, #tpu.memory_space<vmem>>, vector<16xi32>,
        %parallel_loop3A_111 = arith.cmpi eq, %parallel_loop3A_110, %parallel_loop3A_73 : vector<16xi32>
        %parallel_loop3A_112 = arith.constant 1.000000e+00 : f32
        %parallel_loop3A_113 = arith.constant 0.000000e+00 : f32
        %parallel_loop3A_114 = vector.broadcast %parallel_loop3A_112 : f32 to vector<16xf32>
        %parallel_loop3A_115 = vector.broadcast %parallel_loop3A_113 : f32 to vector<16xf32>
        %parallel_loop3A_116 = arith.select %parallel_loop3A_111, %parallel_loop3A_114, %parallel_loop3A_115 : vector<16xi1>, vector<16xf32>
        %parallel_loop3A_117 = arith.subf %parallel_loop3A_116, %parallel_loop3A_108 : vector<16xf32>
        %parallel_loop3A_118 = arith.mulf %parallel_loop3A_117, %parallel_loop3A_117 : vector<16xf32>
        %parallel_loop3A_119 = arith.index_cast %parallel_loop3A_70 : i32 to index
        %parallel_loop3A_120 = arith.index_cast %parallel_loop3A_79 : i32 to index
        %parallel_loop3A_121 = tpu.vector_load %arg7[%parallel_loop3A_119, %parallel_loop3A_120] {strides = array<i32>} : memref<32x1024xf32, #tpu.memory_space<vmem>>, vector<16xf32>,
        tpu.vector_store %arg7[%parallel_loop3A_119, %parallel_loop3A_120], %parallel_loop3A_118 {strides = array<i32>} : memref<32x1024xf32, #tpu.memory_space<vmem>>, vector<16xf32>,
        %parallel_loop3A_122 = arith.constant 9.99999996E-13 : f32
        %parallel_loop3A_123 = vector.broadcast %parallel_loop3A_122 : f32 to vector<16xf32>
        %parallel_loop3A_124 = arith.addf %parallel_loop3A_85, %parallel_loop3A_123 : vector<16xf32>
        %parallel_loop3A_125 = tpu.bitcast %parallel_loop3A_124 : vector<16xf32> -> vector<16xi32>
        %parallel_loop3A_126 = arith.constant 1 : i32
        %parallel_loop3A_127 = vector.broadcast %parallel_loop3A_126 : i32 to vector<16xi32>
        %parallel_loop3A_128 = arith.shrsi %parallel_loop3A_125, %parallel_loop3A_127 : vector<16xi32>
        %parallel_loop3A_129 = arith.constant 1597463007 : i32
        %parallel_loop3A_130 = vector.broadcast %parallel_loop3A_129 : i32 to vector<16xi32>
        %parallel_loop3A_131 = arith.subi %parallel_loop3A_130, %parallel_loop3A_128 : vector<16xi32>
        %parallel_loop3A_132 = tpu.bitcast %parallel_loop3A_131 : vector<16xi32> -> vector<16xf32>
        %parallel_loop3A_133 = arith.constant 5.000000e-01 : f32
        %parallel_loop3A_134 = vector.broadcast %parallel_loop3A_133 : f32 to vector<16xf32>
        %parallel_loop3A_135 = arith.mulf %parallel_loop3A_134, %parallel_loop3A_124 : vector<16xf32>
        %parallel_loop3A_136 = arith.mulf %parallel_loop3A_135, %parallel_loop3A_132 : vector<16xf32>
        %parallel_loop3A_137 = arith.mulf %parallel_loop3A_136, %parallel_loop3A_132 : vector<16xf32>
        %parallel_loop3A_138 = arith.constant 1.500000e+00 : f32
        %parallel_loop3A_139 = vector.broadcast %parallel_loop3A_138 : f32 to vector<16xf32>
        %parallel_loop3A_140 = arith.subf %parallel_loop3A_139, %parallel_loop3A_137 : vector<16xf32>
        %parallel_loop3A_141 = arith.mulf %parallel_loop3A_132, %parallel_loop3A_140 : vector<16xf32>
        %parallel_loop3A_142 = arith.mulf %parallel_loop3A_124, %parallel_loop3A_141 : vector<16xf32>
        %parallel_loop3A_143 = arith.index_cast %parallel_loop3A_87 : i32 to index
        %parallel_loop3A_144 = tpu.vector_load %arg6[%parallel_loop3A_143] {strides = array<i32>} : memref<1024xi32, #tpu.memory_space<vmem>>, vector<16xi32>,
        %parallel_loop3A_145 = arith.cmpi eq, %parallel_loop3A_144, %parallel_loop3A_73 : vector<16xi32>
        %parallel_loop3A_146 = arith.constant 1.000000e+00 : f32
        %parallel_loop3A_147 = arith.constant 0.000000e+00 : f32
        %parallel_loop3A_148 = vector.broadcast %parallel_loop3A_146 : f32 to vector<16xf32>
        %parallel_loop3A_149 = vector.broadcast %parallel_loop3A_147 : f32 to vector<16xf32>
        %parallel_loop3A_150 = arith.select %parallel_loop3A_145, %parallel_loop3A_148, %parallel_loop3A_149 : vector<16xi1>, vector<16xf32>
        %parallel_loop3A_151 = arith.subf %parallel_loop3A_150, %parallel_loop3A_142 : vector<16xf32>
        %parallel_loop3A_152 = arith.mulf %parallel_loop3A_151, %parallel_loop3A_151 : vector<16xf32>
        %parallel_loop3A_153 = arith.index_cast %parallel_loop3A_70 : i32 to index
        %parallel_loop3A_154 = arith.index_cast %parallel_loop3A_87 : i32 to index
        %parallel_loop3A_155 = tpu.vector_load %arg7[%parallel_loop3A_153, %parallel_loop3A_154] {strides = array<i32>} : memref<32x1024xf32, #tpu.memory_space<vmem>>, vector<16xf32>,
        tpu.vector_store %arg7[%parallel_loop3A_153, %parallel_loop3A_154], %parallel_loop3A_152 {strides = array<i32>} : memref<32x1024xf32, #tpu.memory_space<vmem>>, vector<16xf32>,
      } {sc.loop_unroll_factor = 8 : i64, sc.parallel_access}
    } {sc.loop_unroll_factor = 1 : i64, sc.parallel_access}
    %dma_wait3A_58 = arith.constant 0 : i32
    %dma_wait3A_59 = arith.constant 0 : i32
    %dma_wait3A_60 = tpu.memref_slice %arg7[%dma_wait3A_58, %dma_wait3A_59] : memref<32x1024xf32, #tpu.memory_space<vmem>> -> memref<16x1024xf32, #tpu.memory_space<vmem>>
    %dma_wait3A_61 = arith.constant 0 : i32
    %dma_wait3A_62 = tpu.memref_slice %arg4[%mul3A_2, %dma_wait3A_61] : memref<1024x1024xf32, #tpu.memory_space<hbm>> -> memref<16x1024xf32, #tpu.memory_space<hbm>>
    %dma_wait3A_63 = arith.constant 0 : i32
    %dma_wait3A_64 = tpu.memref_slice %arg4[%mul3A_2, %dma_wait3A_63] : memref<1024x1024xf32, #tpu.memory_space<hbm>> -> memref<16x1024xf32, #tpu.memory_space<hbm>>
    %dma_wait3A_65 = arith.constant 0 : i32
    %dma_wait3A_66 = arith.constant 0 : i32
    %dma_wait3A_67 = tpu.memref_slice %arg7[%dma_wait3A_65, %dma_wait3A_66] : memref<32x1024xf32, #tpu.memory_space<vmem>> -> memref<16x1024xf32, #tpu.memory_space<vmem>>
    tpu.wait_dma2 semaphore(%arg10 : memref<!tpu.dma_semaphore, #tpu.memory_space<semaphore_mem>>) src(%dma_wait3A_67 : memref<16x1024xf32, #tpu.memory_space<vmem>>) dst(%dma_wait3A_64 : memref<16x1024xf32, #tpu.memory_space<hbm>>)
    %add3A_68 = arith.constant 16 : i32
    %add3A_69 = arith.addi %mul3A_2, %add3A_68 : i32
    "tpu.region"() ({
      %run_scoped3A = tpu.sem_alloc : memref<!tpu.dma_semaphore, #tpu.memory_space<semaphore_mem>>
      %dma_start3A_70 = arith.constant 16 : i32
      %dma_start3A_71 = arith.constant 0 : i32
      %dma_start3A_72 = tpu.memref_slice %arg7[%dma_start3A_70, %dma_start3A_71] : memref<32x1024xf32, #tpu.memory_space<vmem>> -> memref<16x1024xf32, #tpu.memory_space<vmem>>
      %dma_start3A_73 = arith.constant 0 : i32
      %dma_start3A_74 = tpu.memref_slice %arg4[%add3A_69, %dma_start3A_73] : memref<1024x1024xf32, #tpu.memory_space<hbm>> -> memref<16x1024xf32, #tpu.memory_space<hbm>>
      %dma_start3A_75 = arith.constant 0 : i32
      %dma_start3A_76 = tpu.memref_slice %arg4[%add3A_69, %dma_start3A_75] : memref<1024x1024xf32, #tpu.memory_space<hbm>> -> memref<16x1024xf32, #tpu.memory_space<hbm>>
      %dma_start3A_77 = arith.constant 16 : i32
      %dma_start3A_78 = arith.constant 0 : i32
      %dma_start3A_79 = tpu.memref_slice %arg7[%dma_start3A_77, %dma_start3A_78] : memref<32x1024xf32, #tpu.memory_space<vmem>> -> memref<16x1024xf32, #tpu.memory_space<vmem>>
      tpu.enqueue_dma source(%dma_start3A_79 : memref<16x1024xf32, #tpu.memory_space<vmem>>) target(%dma_start3A_76 : memref<16x1024xf32, #tpu.memory_space<hbm>>) target_semaphore(%run_scoped3A : memref<!tpu.dma_semaphore, #tpu.memory_space<semaphore_mem>>)
      %dma_wait3A_80 = arith.constant 16 : i32
      %dma_wait3A_81 = arith.constant 0 : i32
      %dma_wait3A_82 = tpu.memref_slice %arg7[%dma_wait3A_80, %dma_wait3A_81] : memref<32x1024xf32, #tpu.memory_space<vmem>> -> memref<16x1024xf32, #tpu.memory_space<vmem>>
      %dma_wait3A_83 = arith.constant 0 : i32
      %dma_wait3A_84 = tpu.memref_slice %arg4[%add3A_69, %dma_wait3A_83] : memref<1024x1024xf32, #tpu.memory_space<hbm>> -> memref<16x1024xf32, #tpu.memory_space<hbm>>
      %dma_wait3A_85 = arith.constant 0 : i32
      %dma_wait3A_86 = tpu.memref_slice %arg4[%add3A_69, %dma_wait3A_85] : memref<1024x1024xf32, #tpu.memory_space<hbm>> -> memref<16x1024xf32, #tpu.memory_space<hbm>>
      %dma_wait3A_87 = arith.constant 16 : i32
      %dma_wait3A_88 = arith.constant 0 : i32
      %dma_wait3A_89 = tpu.memref_slice %arg7[%dma_wait3A_87, %dma_wait3A_88] : memref<32x1024xf32, #tpu.memory_space<vmem>> -> memref<16x1024xf32, #tpu.memory_space<vmem>>
      tpu.wait_dma2 semaphore(%run_scoped3A : memref<!tpu.dma_semaphore, #tpu.memory_space<semaphore_mem>>) src(%dma_wait3A_89 : memref<16x1024xf32, #tpu.memory_space<vmem>>) dst(%dma_wait3A_86 : memref<16x1024xf32, #tpu.memory_space<hbm>>)
      tpu.yield
    }) : () -> ()
    return
  }
}

module attributes {stable_mosaic.version = 14 : i64} {
  func.func @_d2_kernel(%arg0: i32, %arg1: memref<512x32xf32, #tpu.memory_space<vmem>>, %arg2: memref<1024x32xf32, #tpu.memory_space<vmem>>, %arg3: memref<512x512xf32, #tpu.memory_space<vmem>>) attributes {dimension_semantics = [#tpu.dimension_semantics<arbitrary>], iteration_bounds = array<i64: 2>, scalar_prefetch = 0 : i64, scratch_operands = 0 : i64, tpu.core_type = #tpu.core_type<tc>, window_params = [{transform_indices = @transform_0, window_bounds = array<i64: 512, 32>}, {pipeline_mode = #tpu.pipeline_mode<synchronous>, transform_indices = @transform_1, window_bounds = array<i64: 1024, 32>}, {transform_indices = @transform_2, window_bounds = array<i64: 512, 512>}]} {
    %get3A = arith.constant 0 : index
    %get3A_0 = arith.constant 0 : index
    %get3A_1 = vector.load %arg1[%get3A, %get3A_0] : memref<512x32xf32, #tpu.memory_space<vmem>>, vector<512x32xf32>
    %get3A_2 = arith.constant 0 : index
    %get3A_3 = arith.constant 0 : index
    %get3A_4 = vector.load %arg2[%get3A_2, %get3A_3] : memref<1024x32xf32, #tpu.memory_space<vmem>>, vector<1024x32xf32>
    %dot_general3A = arith.constant dense<0.000000e+00> : vector<512x1024xf32>
    %dot_general3A_5 = tpu.matmul %get3A_1, %get3A_4, %dot_general3A {dimension_numbers = #tpu.dot_dimension_numbers<[1], [1], [0], [0], [0, 0, 1, 0], [], []>, transpose_lhs_hint = false} : vector<512x32xf32>, vector<1024x32xf32>, vector<512x1024xf32> -> vector<512x1024xf32>
    %mul3A = arith.mulf %get3A_1, %get3A_1 : vector<512x32xf32>
    %reduce_sum3A = arith.constant dense<0.000000e+00> : vector<512xf32>
    %reduce_sum3A_6 = vector.multi_reduction <add>, %mul3A, %reduce_sum3A [1] : vector<512x32xf32> to vector<512xf32>
    %broadcast_in_dim3A = vector.shape_cast %reduce_sum3A_6 : vector<512xf32> to vector<512x1xf32>
    %mul3A_7 = arith.mulf %get3A_4, %get3A_4 : vector<1024x32xf32>
    %reduce_sum3A_8 = arith.constant dense<0.000000e+00> : vector<1024xf32>
    %reduce_sum3A_9 = vector.multi_reduction <add>, %mul3A_7, %reduce_sum3A_8 [1] : vector<1024x32xf32> to vector<1024xf32>
    %reshape3A = vector.shape_cast %reduce_sum3A_9 : vector<1024xf32> to vector<1x1024xf32>
    %add3A = vector.broadcast %broadcast_in_dim3A : vector<512x1xf32> to vector<512x1024xf32>
    %add3A_10 = vector.broadcast %reshape3A : vector<1x1024xf32> to vector<512x1024xf32>
    %add3A_11 = arith.addf %add3A, %add3A_10 : vector<512x1024xf32>
    %mul3A_12 = arith.constant 2.000000e+00 : f32
    %mul3A_13 = vector.broadcast %mul3A_12 : f32 to vector<512x1024xf32>
    %mul3A_14 = arith.mulf %mul3A_13, %dot_general3A_5 : vector<512x1024xf32>
    %sub3A = arith.subf %add3A_11, %mul3A_14 : vector<512x1024xf32>
    %max3A = arith.constant 0.000000e+00 : f32
    %max3A_15 = vector.broadcast %max3A : f32 to vector<512x1024xf32>
    %max3A_16 = arith.maximumf %sub3A, %max3A_15 : vector<512x1024xf32>
    %slice3A = vector.extract_strided_slice %max3A_16 {offsets = [0, 0], sizes = [512, 512], strides = [1, 1]} : vector<512x1024xf32> to vector<512x512xf32>
    %convert_element_type3A = arith.truncf %slice3A : vector<512x512xf32> to vector<512x512xbf16>
    %bitcast_convert_type3A = tpu.bitcast %convert_element_type3A : vector<512x512xbf16> -> vector<512x512xi16>
    %convert_element_type3A_17 = arith.extui %bitcast_convert_type3A : vector<512x512xi16> to vector<512x512xi32>
    %slice3A_18 = vector.extract_strided_slice %max3A_16 {offsets = [0, 512], sizes = [512, 512], strides = [1, 1]} : vector<512x1024xf32> to vector<512x512xf32>
    %convert_element_type3A_19 = arith.truncf %slice3A_18 : vector<512x512xf32> to vector<512x512xbf16>
    %bitcast_convert_type3A_20 = tpu.bitcast %convert_element_type3A_19 : vector<512x512xbf16> -> vector<512x512xi16>
    %convert_element_type3A_21 = arith.extui %bitcast_convert_type3A_20 : vector<512x512xi16> to vector<512x512xi32>
    %shift_left3A = arith.constant 16 : i32
    %shift_left3A_22 = vector.broadcast %shift_left3A : i32 to vector<512x512xi32>
    %shift_left3A_23 = arith.shli %convert_element_type3A_21, %shift_left3A_22 : vector<512x512xi32>
    %or3A = arith.ori %convert_element_type3A_17, %shift_left3A_23 : vector<512x512xi32>
    %bitcast_convert_type3A_24 = tpu.bitcast %or3A : vector<512x512xi32> -> vector<512x512xf32>
    %swap3A = arith.constant 0 : index
    %swap3A_25 = arith.constant 0 : index
    %swap3A_26 = vector.load %arg3[%swap3A, %swap3A_25] : memref<512x512xf32, #tpu.memory_space<vmem>>, vector<512x512xf32>
    tpu.vector_store %arg3[%swap3A, %swap3A_25], %bitcast_convert_type3A_24 {strides = array<i32>} : memref<512x512xf32, #tpu.memory_space<vmem>>, vector<512x512xf32>,
    return
  }
  func.func @transform_0(%arg0: i32) -> (i32, i32) {
    %c0_i32 = arith.constant 0 : i32
    %c0_i32_0 = arith.constant 0 : i32
    return %arg0, %c0_i32 : i32, i32
  }
  func.func @transform_1(%arg0: i32) -> (i32, i32) {
    %c0_i32 = arith.constant 0 : i32
    %c0_i32_0 = arith.constant 0 : i32
    %c0_i32_1 = arith.constant 0 : i32
    return %c0_i32, %c0_i32_0 : i32, i32
  }
  func.func @transform_2(%arg0: i32) -> (i32, i32) {
    %c0_i32 = arith.constant 0 : i32
    %c0_i32_0 = arith.constant 0 : i32
    return %arg0, %c0_i32 : i32, i32
  }
}

</mosaic_0001>

<sc_bundles>
// kernel: kernel.4.cloned.1.call-start
scs
__scs_entry_jumppad:
0x0: {  	(pc) =	sbr.rel $0x88, $3  }
0x1: {  	(tag) =	ssettag $0x0;
	lr =	simm.s32 $0x1  }
0x2: {  	[smem:$0x3F9F] =	sst lr;
	_ =	strace $0xD0000000  }
0x3: {  	_ = 	snop  }
0x4: {  	_ = 	snop  }
0x5: {  	_ = 	snop  }
0x6: {  	_ = 	snop  }
0x7: {  	_ = 	snop  }
__scs_overlays_trampoline_lowered:
0x8: {  	[smem:$0x3FAE] =	sst s0  }
0x9: {  	[smem:$0x3FAF] =	sst s1  }
0xa: {  	[smem:$0x3FB0] =	sst s2  }
0xb: {  	[smem:$0x3FB1] =	sst s3  }
0xc: {  	[smem:$0x3FB2] =	sst s4  }
0xd: {  	[smem:$0x3FB3] =	sst s5  }
0xe: {  	[smem:$0x3FB4] =	sst s6  }
0xf: {  	[smem:$0x3FB5] =	sst s7  }
0x10: {  	[smem:$0x3FB6] =	sst s8  }
0x11: {  	[smem:$0x3FB7] =	sst s9;
	s0 =	simm.s32 @!p0 $0x0  }
0x12: {  	s1 =	sld [smem:$0x3F9D];
	s0 =	simm.s32 @p0 $0x1  }
0x13: {  	[smem:$0x3FB8] =	sst s0;
	s0 =	simm.s32 @!p1 $0x0  }
0x14: {  	s2 =	sld [smem:$0x3F9C];
	s0 =	simm.s32 @p1 $0x1  }
0x15: {  	[smem:$0x3FB9] =	sst s0;
	s0 =	simm.s32 @!p2 $0x0  }
0x16: {  	s3 =	sld [smem:$0x3FDB];
	s0 =	simm.s32 @p2 $0x1  }
0x17: {  	s4 =	simm.s32 $0x1BF5;
	[smem:$0x3FBB] =	sst s0  }
0x18: {  	s0 =	sld [smem:$0x3F9E];
	_ =	swait.ge [sflag:s4], $0x0  }
0x19: {  	s7 =	sld [smem:$0x3F9F]  }
0x1a: {  	s8 =	sadd.s32 $0xFFFFE003, lr  }
0x1b: {  	s9 =	sadd.s32 $0xFFFFFEF7, lr;
	s5 =	simm.s32 $0xFFFFFFFF;
	p2 =	slt.u32 s8, $0xFFFFF086  }
0x1c: {  	p1 =	slt.u32 s9, $0xF7A;
	s5 =	simm.s32 @!p2 $0x0  }
0x1d: {  	s5 =	simm.s32 @p1 $0x1;
	p0 =	seq.s32 s7, s2  }
0x1e: {  	s7 =	smul.u32 @!p0 $0xF7A, s2;
	p2 =	seq.s32 @!p0 s5, $0x0  }
0x1f: {  	s9 =	smul.u32 $0xF7A, s1;
	s8 =	simm.s32 @!p0 $0x1BF5;
	p2 =	por !p2, p0  }
0x20: {  	[sflag:s8] =	ssyncset.s32 @!p0 $0xFFFFF086;
	s6 =	sadd.s32 @!p0 s3, s7;
	s7 =	simm.s32 @!p0 $0x108  }
0x21: {  	s3 =	sadd.s32 s3, s9;
	s6 =	sadd.s32 @!p0 $0x88, s6;
	s7 =	simm.s32 @p2 $0x1082  }
0x22: {  	[simem:s7], [sflag:s8] =	dma.local @!p0 [hbm:s6], $0xF7A  }
0x23: {  	s9 =	sor.u32 $0xD0000000, s2;
	s6 =	simm.s32 $0x108;
	_ =	swait.ge @!p0 [sflag:s8], $0x0  }
0x24: {  	s3 =	sadd.s32 $0x88, s3;
	s6 =	simm.s32 @!p1 $0x1082;
	[sflag:s4] =	ssyncset.s32 $0xFFFFF086  }
0x25: {  	[simem:s6], [sflag:s4] =	dma.local [hbm:s3], $0xF7A  }
0x26: {  	[smem:$0x3F9F] =	sst s1;
	(tag) =	ssettag s2;
	_ =	strace s9  }
0x27: {  	s1 =	sld [smem:$0x3FAF]  }
0x28: {  	s2 =	sld [smem:$0x3FB0]  }
0x29: {  	s4 =	sld [smem:$0x3FB2]  }
0x2a: {  	p0 =	seq.s32 s5, $0x0;
	s5 =	sld [smem:$0x3FB3]  }
0x2b: {  	s6 =	sld [smem:$0x3FB4]  }
0x2c: {  	s7 =	sld [smem:$0x3FB5]  }
0x2d: {  	s3 =	simm.s32 $0x108;
	s8 =	sld [smem:$0x3FB6]  }
0x2e: {  	s3 =	simm.s32 @!p0 $0x1082;
	s9 =	sld [smem:$0x3FB7]  }
0x2f: {  	lr =	sadd.s32 s0, s3;
	s0 =	sld [smem:$0x3FAE]  }
0x30: {  	s3 =	sld [smem:$0x3FB1]  }
0x31: {  	[smem:$0x3FBA] =	sst s10  }
0x32: {  	s10 =	sld [smem:$0x3FB8];
	_ =	sdelay $0x3  }
0x33: {  	p0 =	seq.s32 s10, $0x1;
	s10 =	sld [smem:$0x3FBA];
	_ =	sdelay $0x3  }
0x34: {  	[smem:$0x3FBA] =	sst s10  }
0x35: {  	s10 =	sld [smem:$0x3FB9];
	_ =	sdelay $0x3  }
0x36: {  	p1 =	seq.s32 s10, $0x1;
	s10 =	sld [smem:$0x3FBA];
	_ =	sdelay $0x3  }
0x37: {  	[smem:$0x3FBA] =	sst s10  }
0x38: {  	s10 =	sld [smem:$0x3FBB]  }
0x39: {  	_ = 	snop;
	(pc) =	sbr.ind lr, $3  }
0x3a: {  	_ = 	snop  }
0x3b: {  	_ = 	snop  }
0x3c: {  	p2 =	seq.s32 s10, $0x1;
	s10 =	sld [smem:$0x3FBA]  }
0x3d: {  	_ =	shalt  }
0x3e: {  	_ =	shalt  }
0x3f: {  	_ =	shalt  }
0x40: {  	_ =	shalt  }
0x41: {  	_ =	shalt  }
0x42: {  	_ =	shalt  }
0x43: {  	_ =	shalt  }
0x44: {  	_ =	shalt  }
0x45: {  	_ =	shalt  }
0x46: {  	_ =	shalt  }
0x47: {  	_ =	shalt  }
0x48: {  	_ =	shalt  }
0x49: {  	_ =	shalt  }
0x4a: {  	_ =	shalt  }
0x4b: {  	_ =	shalt  }
0x4c: {  	_ =	shalt  }
0x4d: {  	_ =	shalt  }
0x4e: {  	_ =	shalt  }
0x4f: {  	_ =	shalt  }
0x50: {  	_ =	shalt  }
0x51: {  	_ =	shalt  }
0x52: {  	_ =	shalt  }
0x53: {  	_ =	shalt  }
0x54: {  	_ =	shalt  }
0x55: {  	_ =	shalt  }
0x56: {  	_ =	shalt  }
0x57: {  	_ =	shalt  }
0x58: {  	_ =	shalt  }
0x59: {  	_ =	shalt  }
0x5a: {  	_ =	shalt  }
0x5b: {  	_ =	shalt  }
0x5c: {  	_ =	shalt  }
0x5d: {  	_ =	shalt  }
0x5e: {  	_ =	shalt  }
0x5f: {  	_ =	shalt  }
0x60: {  	_ =	shalt  }
0x61: {  	_ =	shalt  }
0x62: {  	_ =	shalt  }
0x63: {  	_ =	shalt  }
0x64: {  	_ =	shalt  }
0x65: {  	_ =	shalt  }
0x66: {  	_ =	shalt  }
0x67: {  	_ =	shalt  }
0x68: {  	_ =	shalt  }
0x69: {  	_ =	shalt  }
0x6a: {  	_ =	shalt  }
0x6b: {  	_ =	shalt  }
0x6c: {  	_ =	shalt  }
0x6d: {  	_ =	shalt  }
0x6e: {  	_ =	shalt  }
0x6f: {  	_ =	shalt  }
0x70: {  	_ =	shalt  }
0x71: {  	_ =	shalt  }
0x72: {  	_ =	shalt  }
0x73: {  	_ =	shalt  }
0x74: {  	_ =	shalt  }
0x75: {  	_ =	shalt  }
0x76: {  	_ =	shalt  }
0x77: {  	_ =	shalt  }
0x78: {  	_ =	shalt  }
0x79: {  	_ =	shalt  }
0x7a: {  	_ =	shalt  }
0x7b: {  	_ =	shalt  }
0x7c: {  	_ =	shalt  }
0x7d: {  	_ =	shalt  }
0x7e: {  	_ =	shalt  }
0x7f: {  	_ =	shalt  }
0x80: {  	_ =	shalt  }
0x81: {  	_ =	shalt  }
0x82: {  	_ =	shalt  }
0x83: {  	_ =	shalt  }
0x84: {  	_ =	shalt  }
0x85: {  	_ =	shalt  }
0x86: {  	_ =	shalt  }
0x87: {  	_ =	shalt  }
.Lfunc_end0:
.L_simem_size_0:
called_computation_lowered:
.L_overlay_start_0:
0x88: {  	s2 =	sld [smem:$0x3FD9]  }
0x89: {  	s3 =	sld [smem:$0x3FFE];
	_ =	sdelay $0x1  }
0x8a: {  	s1 =	srdreg.scid  }
0x8b: {  	s0 =	sand.u32 $0x1, s1  }
0x8c: {  	s17 =	sshll.u32 s0, $0xA;
	s2 =	sadd.s32 s3, s2  }
0x8d: {  	s2 =	sadd.s32 s2, s17  }
0x8e: {  	[smem:$0x3FC6] =	sst s2  }
0x8f: {  	_ = 	snop  }
0x90: {  	s2 =	sld [smem:$0x3FC8]  }
0x91: {  	s18 =	sld [smem:$0x3FD0];
	(tm) =	ssettm $0x1  }
0x92: {  	s4 =	sld [smem:$0x3FFB];
	_ =	sdelay $0x3  }
0x93: {  	_ =	strace s4  }
0x94: {  	s4 =	sld [smem:$0x3FFC];
	_ =	sdelay $0x3  }
0x95: {  	_ =	strace s4  }
0x96: {  	s4 =	sld [smem:$0x3FFD];
	_ =	sdelay $0x3  }
0x97: {  	_ =	strace s4  }
0x98: {  	_ =	strace $0x8FFFFFFF  }
0x99: {  	s19 =	sld [smem:$0x3FDB];
	_ =	sdelay $0x1  }
0x9a: {  	s5 =	simm.s32 $_scs_section_size  }
0x9b: {  	s6 =	simm.s32 $_size__tile_overlayer_lowered;
	s7 =	simm.s32 $_tile_overlayer_lowered  }
0x9c: {  	s22 =	simm.s32 $0x1BFF;
	s21 =	sshll.u32 s7, $0x1;
	s4 =	sadd.s32 s5, s19  }
0x9d: {  	s8 =	simm.s32 $0x0;
	s20 =	sshll.u32 s6, $0x1;
	s6 =	sadd.s32 s21, s4  }
0x9e: {  	[timem:s8], [sflag:s22] =	dma.local [hbm:s6], s20  }
0x9f: {  	_ =	swait.ge [sflag:s22], s20  }
0xa0: {  	s5 =	ssub.s32 $0x0, s20;
	[sflag:s22] =	ssyncset.done $0x0  }
0xa1: {  	[sflag:s22] =	ssyncadd.s32 s5;
	_ =	sdelay $0x1  }
0xa2: {  	s23 =	simm.s32 $0x1B8B  }
0xa3: {  	_ =	swait.ge [sflag:s23], $0x1  }
0xa4: {  	[sflag:s23] =	ssyncset.done $0x0  }
0xa5: {  	s25 =	simm.s32 $0x1B8E;
	s24 =	sld [smem:$0x3FFE];
	[sflag:s23] =	ssyncadd.s32 $0xFFFFFFFF  }
0xa6: {  	s26 =	simm.s32 $execute0_lowered;
	[smem:$0x3FD2] =	sst s25  }
0xa7: {  	s6 =	sshll.u32 s26, $0x1;
	_ =	strace $0x80000046;
	[dreg:$0x1] =	wrdreg $0xFFFFFFFF  }
0xa8: {  	s28 =	simm.s32 $_size_execute0_lowered;
	s4 =	sadd.s32 s4, s6;
	[dreg:$0x0] =	wrdreg $0x0  }
0xa9: {  	s6 =	sshll.u32 s28, $0x1;
	[dreg:$0x2] =	wrdreg s4  }
0xaa: {  	[dreg:$0x3] =	wrdreg s6  }
0xab: {  	[dreg:$0x4] =	wrdreg $0xC0  }
0xac: {  	_ =	task [dreg:s8], $0x5FFFF  }
0xad: {  	[dreg:$0x1] =	wrdreg $0xFFFFFFFF  }
0xae: {  	[dreg:$0x0] =	wrdreg $0x60  }
0xaf: {  	[dreg:$0x2] =	wrdreg s18  }
0xb0: {  	[dreg:$0x3] =	wrdreg s2  }
0xb1: {  	[dreg:$0x4] =	wrdreg s24  }
0xb2: {  	[dreg:$0x5] =	wrdreg $0x9  }
0xb3: {  	_ =	task.clear_ibuf [dreg:s8], $0x6FFFF;
	_ =	strace $0x90000046  }
0xb4: {  	s29 =	simm.s32 $0x9;
	_ =	strace $0x80000048  }
0xb5: {  	_ =	swait.ge [sflag:s29], $0x1  }
0xb6: {  	[sflag:s29] =	ssyncadd.s32 $0xFFFFFFFF  }
0xb7: {  	_ =	strace $0x90000048  }
0xb8: {  	_ =	sfence  }
0xb9: {  	s30 =	sld [smem:$0x0];
	_ =	sdelay $0x2  }
0xba: {  	s31 =	sshll.u32 s1, $0xD;
	s1 =	sshrl.u32 s1, $0x2  }
0xbb: {  	s3 =	sand.u32 $0x4000, s31;
	s1 =	sadd.s32 s1, s30  }
0xbc: {  	s0 =	sor.u32 s3, s0;
	s1 =	sshll.u32 s1, $0x11  }
0xbd: {  	s0 =	sor.u32 s1, s0  }
0xbe: {  	s0 =	sadd.s32 $0x8F2B, s0  }
0xbf: {  	[sflag:s0] =	ssyncadd.remote.s32 $0x1  }
0xc0: {  	_ =	sfence.sel $0xFFFF  }
0xc1: {  	[dreg:$0x0] =	wrdreg $0xFFFFFFFF;
	(pc) =	sbr.abs _section_cstart, $3  }
0xc2: {  	[dreg:$0x1] =	wrdreg $0xFFFFFFFF  }
0xc3: {  	_ =	task.clear_ibuf [dreg:s8], $0x2FFFF;
	_ =	strace $0x9FFFFFFF  }
0xc4: {  	(tm) =	ssettm $0x7FFFFFFF  }
0xc5: {  	_ =	shalt  }
tec
execute0_lowered:
.L_overlay_start_1:
0x0: {  	(tag) =	ssettag $0x1  }
0x1: {  	s6 =	rddreg [dreg:$0x0]  }
0x2: {  	s1 =	rddreg [dreg:$0x1]  }
0x3: {  	s5 =	rddreg [dreg:$0x2]  }
0x4: {  	s0 =	rddreg [dreg:$0x3]  }
0x5: {  	s4 =	srdreg.scid;
	s3 =	simm.s32 $0x0;
	s2 =	stileid.u32  }
0x6: {  	s12 =	simm.s32 $0x4;
	s13 =	simm.s32 $0x1;
	s14 =	simm.s32 $0x4400  }
0x7: {  	s15 =	simm.s32 $0x2;
	s16 =	simm.s32 $0x3;
	s17 =	simm.s32 $0x8400  }
0x8: {  	s18 =	simm.s32 $0x0;
	s7 =	sand.u32 $0x1, s4;
	[smem:$0x7FF] =	sst s3  }
0x9: {  	s25 =	sshll.u32 s2, $0x6;
	s26 =	sadd.s32 $0x600, s5;
	s8 =	sshll.u32 s7, $0x5  }
0xa: {  	_ =	strace $0x80000047;
	s28 =	ssub.s32 $0x2, s7;
	s4 =	sor.u32 s8, s25  }
0xb: {  	s9 =	sshrl.u32 s28, $0x1;
	s29 =	sshrl.u32 s4, $0x3;
	s10 =	sshll.u32 s4, $0x6  }
0xc: {  	s9 =	ssub.s32 s28, s9;
	s31 =	sshll.u32 s4, $0x7;
	s7 =	sor.u32 $0x2, s29  }
0xd: {  	s5 =	sadd.s32 s6, s10;
	s9 =	smax.u32 s9, $0x1;
	s10 =	simm.s32 $0x2000  }
0xe: {  	s30 =	sshll.u32 s7, $0x9;
	s11 =	sshll.u32 s7, $0xA;
	s7 =	sadd.s32 s26, s31  }
0xf: {  	v0 =	vimm.f32 $0.0e+00;
	s6 =	sadd.s32 s6, s30;
	s8 =	sadd.s32 s26, s11;
	s11 =	simm.s32 $0x4000  }
.LBB2_1:
0x10: {  	[tilespmem:s3], [sflag:$0x1] =	stream.linear.gather [hbm4b:s5+s3], $0x2000, $0x38;
	[tilespmem:$0xC400] =	vst v63  }
0x11: {  	_ = 	snop  }
0x12: {  	[tilespmem:s10], [sflag:$0x2] =	stream.linear.gather [hbm4b:s6+s3], $0x2000, $0x38;
	[tilespmem:$0xC400] =	vst v63  }
0x13: {  	_ = 	snop  }
0x14: {  	[tilespmem:s11], [sflag:$0x4] =	stream.linear.gather [hbm4b:s1+s3], $0x400, $0x38;
	[tilespmem:$0xC400] =	vst v63  }
0x15: {  	_ =	swait.ge [sflag:s12], $0x400  }
0x16: {  	[sflag:s12] =	ssyncset.done $0x0  }
0x17: {  	[sflag:s12] =	ssyncadd.s32 $0xFFFFFC00  }
0x18: {  	_ =	swait.ge [sflag:s13], $0x2000  }
0x19: {  	[sflag:s13] =	ssyncset.done $0x0  }
0x1a: {  	s19 =	simm.s32 $0x0;
	s20 =	simm.s32 $0x0;
	[sflag:s13] =	ssyncadd.s32 $0xFFFFE000  }
.LBB2_2:
0x1b: {  	s21 =	sor.u32 s4, s20;
	s23 =	sshrl.u32 s20, $0x3;
	s31 =	sshll.u32 s19, $0x9  }
0x1c: {  	v1 =	vmov s21;
	s22 =	sshll.u32 s23, $0xE;
	s21 =	sand.u32 $0xE00, s31  }
0x1d: {  	s24 =	simm.s32 $0x4200;
	s22 =	sor.u32 s21, s22  }
0x1e: {  	v3 =	vld [tilespmem:s24+$0xFFFFFE00];
	s22 =	sshrl.u32 s22, $0x2  }
0x1f: {  	v4 =	vld [tilespmem:s24+$0xFFFFFE30];
	s22 =	sor.u32 $0x40, s22  }
0x20: {  	v2 =	vld [tilespmem:s22+$0xFFFFFFC0]  }
0x21: {  	v12 =	vld [tilespmem:s22+$0x30]  }
0x22: {  	v13 =	vld [tilespmem:s22+$0x0]  }
0x23: {  	v17 =	vld [tilespmem:s22+$0x10]  }
0x24: {  	v20 =	vld [tilespmem:s22+$0x20]  }
0x25: {  	v5 =	vld [tilespmem:s24+$0xFFFFFE50]  }
0x26: {  	v1 =	vld.idx.msk [tilespmem:v1+s11+$0x0], $0xffff  }
0x27: {  	v8 =	vld [tilespmem:s24+$0xFFFFFE10];
	v6 =	vunpack.i.u.bf16.f32 v2  }
0x28: {  	v2 =	vunpack.i.l.bf16.f32 v2;
	v18 =	vunpack.i.u.bf16.f32 v12;
	v19 =	vunpack.i.l.bf16.f32 v13  }
0x29: {  	v9 =	vld [tilespmem:s24+$0xFFFFFE60];
	v21 =	vunpack.i.l.bf16.f32 v17;
	v17 =	vunpack.i.u.bf16.f32 v17;
	v58 =	vunpack.i.l.bf16.f32 v20  }
0x2a: {  	v13 =	vunpack.i.u.bf16.f32 v13;
	v20 =	vunpack.i.u.bf16.f32 v20;
	v11 =	vadd.f32 $9.999999960e-13, v6  }
0x2b: {  	v7 =	vadd.f32 $9.999999960e-13, v2;
	vm0 =	veq.s32 v3, v1;
	vm1 =	veq.s32 v4, v1  }
0x2c: {  	vm2 =	veq.s32 v5, v1;
	vm3 =	veq.s32 v8, v1;
	v21 =	vadd.f32 $9.999999960e-13, v21  }
0x2d: {  	v43 =	vld [tilespmem:s24+$0xFFFFFE40];
	v5 =	vunpack.i.l.bf16.f32 v12;
	v20 =	vadd.f32 $9.999999960e-13, v20;
	v17 =	vadd.f32 $9.999999960e-13, v17  }
0x2e: {  	v19 =	vadd.f32 $9.999999960e-13, v19;
	v10 =	vsel vm2, $0x3F800000, v0;
	vm2 =	veq.s32 v9, v1  }
0x2f: {  	v24 =	vld [tilespmem:s24+$0xFFFFFE70];
	v5 =	vadd.f32 $9.999999960e-13, v5;
	v2 =	vmul.f32 $5.000000000e-01, v11;
	v14 =	vshra.s32 v7, $0x1  }
0x30: {  	v4 =	vshra.s32 v11, $0x1;
	v6 =	vmul.f32 $5.000000000e-01, v7;
	v27 =	vshra.s32 v21, $0x1  }
0x31: {  	v61 =	vmul.f32 $5.000000000e-01, v21;
	v63 =	vshra.s32 v20, $0x1;
	v41 =	vsel vm2, $0x3F800000, v0  }
0x32: {  	v3 =	vld [tilespmem:s22+$0xFFFFFFD0];
	v37 =	vshra.s32 v17, $0x1;
	v38 =	vmul.f32 $5.000000000e-01, v17;
	vm2 =	veq.s32 v43, v1  }
0x33: {  	v9 =	vld [tilespmem:s22+$0xFFFFFFE0];
	v53 =	vmul.f32 $5.000000000e-01, v19;
	v16 =	vsub.s32 $0x5F3759DF, v4;
	v4 =	vsel vm3, $0x3F800000, v0  }
0x34: {  	v34 =	vld [tilespmem:s24+$0xFFFFFE20];
	v25 =	vmul.f32 $5.000000000e-01, v5;
	vm3 =	veq.s32 v24, v1;
	v27 =	vsub.s32 $0x5F3759DF, v27  }
0x35: {  	v15 =	vld [tilespmem:s22+$0xFFFFFFF0];
	v37 =	vsub.s32 $0x5F3759DF, v37;
	v14 =	vsub.s32 $0x5F3759DF, v14;
	v2 =	vmul.f32 v16, v2  }
0x36: {  	v35 =	vshra.s32 v5, $0x1;
	v47 =	vmul.f32 v37, v38;
	v39 =	vmul.f32 v14, v6  }
0x37: {  	v6 =	vadd.f32 $9.999999960e-13, v13;
	v56 =	vmul.f32 v16, v2;
	v2 =	vunpack.i.l.bf16.f32 v3  }
0x38: {  	v3 =	vunpack.i.u.bf16.f32 v3;
	v23 =	vunpack.i.l.bf16.f32 v9;
	v33 =	vunpack.i.u.bf16.f32 v9  }
0x39: {  	v9 =	vsel vm3, $0x3F800000, v0;
	vm3 =	veq.s32 v34, v1;
	v8 =	vadd.f32 $9.999999960e-13, v2  }
0x3a: {  	v3 =	vadd.f32 $9.999999960e-13, v3;
	v2 =	vunpack.i.l.bf16.f32 v15;
	v57 =	vadd.f32 $9.999999960e-13, v23  }
0x3b: {  	v23 =	vadd.f32 $9.999999960e-13, v58;
	v15 =	vunpack.i.u.bf16.f32 v15;
	v22 =	vadd.f32 $9.999999960e-13, v2  }
0x3c: {  	v40 =	vsel vm3, $0x3F800000, v0;
	v2 =	vadd.f32 $9.999999960e-13, v18;
	v15 =	vadd.f32 $9.999999960e-13, v15  }
0x3d: {  	v12 =	vsub.f32 $1.500000000e+00, v56;
	v56 =	vshra.s32 v19, $0x1;
	v28 =	vshra.s32 v57, $0x1  }
0x3e: {  	v29 =	vmul.f32 $5.000000000e-01, v57;
	v31 =	vshra.s32 v23, $0x1;
	v32 =	vmul.f32 $5.000000000e-01, v23  }
0x3f: {  	v36 =	vshra.s32 v3, $0x1;
	v46 =	vmul.f32 $5.000000000e-01, v3;
	v34 =	vsub.s32 $0x5F3759DF, v56  }
0x40: {  	v30 =	vmul.f32 $5.000000000e-01, v22;
	v31 =	vsub.s32 $0x5F3759DF, v31;
	v59 =	vsub.s32 $0x5F3759DF, v28  }
0x41: {  	v62 =	vsub.s32 $0x5F3759DF, v36;
	v12 =	vmul.f32 v16, v12;
	v55 =	vmul.f32 $5.000000000e-01, v15  }
0x42: {  	v42 =	vshra.s32 v22, $0x1;
	v60 =	vmul.f32 v31, v32;
	v29 =	vmul.f32 v59, v29  }
0x43: {  	v32 =	vadd.f32 $9.999999960e-13, v33;
	v33 =	vmul.f32 v27, v61;
	v45 =	vsub.s32 $0x5F3759DF, v42  }
0x44: {  	v51 =	vshra.s32 v15, $0x1;
	v50 =	vmul.f32 v62, v46;
	v49 =	vmul.f32 v45, v30  }
0x45: {  	v52 =	vsub.s32 $0x5F3759DF, v51;
	v11 =	vmul.f32 v12, v11;
	v30 =	vmul.f32 v34, v53  }
0x46: {  	v28 =	vmul.f32 v31, v60;
	v29 =	vmul.f32 v59, v29;
	v54 =	vshra.s32 v32, $0x1  }
0x47: {  	v33 =	vmul.f32 v27, v33;
	v44 =	vmul.f32 $5.000000000e-01, v32;
	v36 =	vsub.s32 $0x5F3759DF, v54  }
0x48: {  	v16 =	vmul.f32 v45, v49;
	v28 =	vsub.f32 $1.500000000e+00, v28;
	v29 =	vsub.f32 $1.500000000e+00, v29  }
0x49: {  	v30 =	vmul.f32 v34, v30;
	v54 =	vmul.f32 $5.000000000e-01, v2;
	v33 =	vsub.f32 $1.500000000e+00, v33  }
0x4a: {  	v16 =	vsub.f32 $1.500000000e+00, v16;
	v28 =	vmul.f32 v31, v28;
	v24 =	vmul.f32 v59, v29  }
0x4b: {  	v31 =	vsub.s32 $0x5F3759DF, v35;
	v27 =	vmul.f32 v27, v33;
	v29 =	vmul.f32 v36, v44  }
0x4c: {  	v26 =	vshra.s32 v8, $0x1;
	v59 =	vmul.f32 v52, v55;
	v25 =	vmul.f32 v31, v25  }
0x4d: {  	v26 =	vsub.s32 $0x5F3759DF, v26;
	v16 =	vmul.f32 v45, v16;
	v23 =	vmul.f32 v28, v23  }
0x4e: {  	v51 =	vshra.s32 v6, $0x1;
	v18 =	vmul.f32 v24, v57;
	v21 =	vmul.f32 v27, v21  }
0x4f: {  	v60 =	vsel vm1, $0x3F800000, v0;
	v27 =	vmul.f32 v37, v47;
	v24 =	vmul.f32 v62, v50  }
0x50: {  	v55 =	vsub.s32 $0x5F3759DF, v51;
	v57 =	vmul.f32 $5.000000000e-01, v8;
	v58 =	vmul.f32 v36, v29  }
0x51: {  	s23 =	sshll.u32 s23, $0xF;
	v29 =	vmul.f32 v52, v59;
	v47 =	vsel vm2, $0x3F800000, v0;
	v23 =	vsub.f32 v41, v23  }
0x52: {  	s21 =	sor.u32 s21, s23;
	v16 =	vmul.f32 v16, v22;
	v50 =	vmul.f32 v31, v25;
	v27 =	vsub.f32 $1.500000000e+00, v27  }
0x53: {  	s21 =	sshrl.u32 s21, $0x2;
	v18 =	vsub.f32 v40, v18;
	v24 =	vsub.f32 $1.500000000e+00, v24;
	v23 =	vmul.f32 v23, v23  }
0x54: {  	s21 =	sadd.s32 $0x5400, s21;
	v29 =	vsub.f32 $1.500000000e+00, v29;
	v10 =	vsub.f32 v10, v21;
	v27 =	vmul.f32 v37, v27  }
0x55: {  	v18 =	vmul.f32 v18, v18;
	[tilespmem:s21+$0xFFFFF060] =	vst v23;
	v23 =	vsub.s32 $0x5F3759DF, v63;
	v63 =	vmul.f32 v14, v39  }
0x56: {  	v16 =	vsub.f32 v60, v16;
	v24 =	vmul.f32 v62, v24;
	v62 =	vmul.f32 $5.000000000e-01, v20  }
0x57: {  	v12 =	vmul.f32 v52, v29;
	v10 =	vmul.f32 v10, v10;
	v13 =	vsub.f32 $1.500000000e+00, v63  }
0x58: {  	v40 =	vsel vm0, $0x3F800000, v0;
	v17 =	vmul.f32 v27, v17;
	v27 =	vmul.f32 v26, v57  }
0x59: {  	v53 =	vsub.f32 $1.500000000e+00, v50;
	v16 =	vmul.f32 v16, v16;
	[tilespmem:s21+$0xFFFFF020] =	vst v18;
	v48 =	vld [tilespmem:s24+$0x60];
	v13 =	vmul.f32 v14, v13  }
0x5a: {  	v18 =	vsub.f32 $1.500000000e+00, v58;
	v61 =	vld [tilespmem:s24+$0x20];
	v38 =	vmul.f32 v23, v62;
	v42 =	vmul.f32 v26, v27  }
0x5b: {  	v52 =	vsub.f32 $1.500000000e+00, v30;
	v58 =	vmul.f32 $5.000000000e-01, v6;
	[tilespmem:s21+$0xFFFFF030] =	vst v16;
	v7 =	vmul.f32 v13, v7  }
0x5c: {  	v18 =	vmul.f32 v36, v18;
	v49 =	vld [tilespmem:s24+$0x30];
	v43 =	vmul.f32 v23, v38;
	v44 =	vsub.f32 $1.500000000e+00, v42  }
0x5d: {  	v12 =	vmul.f32 v12, v15;
	v59 =	vmul.f32 v55, v58;
	v7 =	vsub.f32 v40, v7  }
0x5e: {  	v18 =	vmul.f32 v18, v32;
	v46 =	vsub.f32 $1.500000000e+00, v43;
	v13 =	vmul.f32 v26, v44  }
0x5f: {  	[tilespmem:s21+$0xFFFFF050] =	vst v10;
	vm3 =	veq.s32 v48, v1;
	vm0 =	veq.s32 v61, v1;
	v7 =	vmul.f32 v7, v7  }
0x60: {  	v56 =	vld [tilespmem:s24+$0x50];
	v28 =	vsel vm3, $0x3F800000, v0;
	v48 =	vmul.f32 v23, v46;
	v8 =	vmul.f32 v13, v8  }
0x61: {  	v41 =	vsel vm0, $0x3F800000, v0;
	vm0 =	veq.s32 v49, v1;
	[tilespmem:s21+$0xFFFFF000] =	vst v7;
	v7 =	vmul.f32 v34, v52  }
0x62: {  	v10 =	vmul.f32 v48, v20;
	v4 =	vsub.f32 v4, v8;
	v8 =	vmul.f32 v31, v53;
	v57 =	vld [tilespmem:s24+$0x0]  }
0x63: {  	v45 =	vsub.f32 v41, v18;
	v18 =	vsel vm0, $0x3F800000, v0;
	v7 =	vmul.f32 v7, v19  }
0x64: {  	v10 =	vsub.f32 v28, v10;
	v4 =	vmul.f32 v4, v4;
	v5 =	vmul.f32 v8, v5  }
0x65: {  	vm0 =	veq.s32 v56, v1;
	v14 =	vmul.f32 v45, v45;
	v7 =	vsub.f32 v47, v7  }
0x66: {  	v8 =	vmul.f32 v10, v10;
	v10 =	vsub.f32 v18, v12;
	[tilespmem:s21+$0xFFFFF010] =	vst v4;
	v4 =	vsub.f32 v9, v5  }
0x67: {  	v5 =	vshra.s32 v2, $0x1;
	v60 =	vld [tilespmem:s24+$0x10];
	vm1 =	veq.s32 v57, v1;
	v7 =	vmul.f32 v7, v7  }
0x68: {  	v9 =	vmul.f32 v55, v59;
	[tilespmem:s21+$0x60] =	vst v8;
	v62 =	vmul.f32 v4, v4;
	v61 =	vsel vm1, $0x3F800000, v0  }
0x69: {  	v10 =	vmul.f32 v10, v10;
	v4 =	vsub.s32 $0x5F3759DF, v5;
	v8 =	vsub.f32 v61, v11;
	[tilespmem:s21+$0xFFFFF040] =	vst v7  }
0x6a: {  	v63 =	vsub.f32 $1.500000000e+00, v9;
	v9 =	vsel vm0, $0x3F800000, v0;
	[tilespmem:s21+$0xFFFFF070] =	vst v62;
	v11 =	vmul.f32 v4, v54;
	v5 =	vld [tilespmem:s24+$0x40]  }
0x6b: {  	s23 =	simm.s32 $0x0;
	[tilespmem:s21+$0x20] =	vst v14;
	v7 =	vmul.f32 v24, v3;
	v3 =	vmul.f32 v8, v8;
	v8 =	vsub.f32 v9, v17;
	v9 =	vld [tilespmem:s24+$0x70]  }
0x6c: {  	s25 =	sadd.s32 $0x400, s22;
	s22 =	smov.u32 s21;
	[tilespmem:s21+$0x30] =	vst v10;
	vm0 =	veq.s32 v60, v1;
	v10 =	vmul.f32 v4, v11;
	v11 =	vmul.f32 v55, v63;
	s24 =	simm.s32 $0x4280  }
.LBB2_3:
0x6d: {  	v12 =	vld [tilespmem:s25+$0xFFFFFFC0];
	s23 =	sadd.s32 $0x8, s23;
	s21 =	sadd.s32 $0x400, s21  }
0x6e: {  	v10 =	vsub.f32 $1.500000000e+00, v10;
	v13 =	vld [tilespmem:s24+$0xFFFFFE00];
	p0 =	slt.u32 s23, $0x18;
	v6 =	vmul.f32 v11, v6  }
0x6f: {  	v11 =	vld [tilespmem:s24+$0xFFFFFE30];
	vm1 =	veq.s32 v5, v1;
	v5 =	vmul.f32 v8, v8  }
0x70: {  	v4 =	vmul.f32 v4, v10;
	v8 =	vld [tilespmem:s24+$0xFFFFFE50];
	v14 =	vsel vm1, $0x3F800000, v0;
	vm1 =	veq.s32 v9, v1  }
0x71: {  	v9 =	vsel vm0, $0x3F800000, v0;
	v10 =	vld [tilespmem:s24+$0xFFFFFE10];
	v6 =	vsub.f32 v14, v6;
	[tilespmem:s22+$0x50] =	vst v5;
	v15 =	vsel vm1, $0x3F800000, v0  }
0x72: {  	v2 =	vmul.f32 v4, v2;
	v5 =	vunpack.i.u.bf16.f32 v12;
	v12 =	vunpack.i.l.bf16.f32 v12;
	v17 =	vld [tilespmem:s24+$0xFFFFFE20]  }
0x73: {  	vm0 =	veq.s32 v13, v1;
	v14 =	vadd.f32 $9.999999960e-13, v5;
	v4 =	vld [tilespmem:s24+$0xFFFFFE60];
	v6 =	vmul.f32 v6, v6  }
0x74: {  	v5 =	vadd.f32 $9.999999960e-13, v12;
	v2 =	vsub.f32 v15, v2;
	vm1 =	veq.s32 v11, v1;
	v12 =	vld [tilespmem:s25+$0x30]  }
0x75: {  	v7 =	vsub.f32 v9, v7;
	v13 =	vmul.f32 $5.000000000e-01, v14;
	v15 =	vld [tilespmem:s25+$0x0];
	vm2 =	veq.s32 v8, v1;
	[tilespmem:s22+$0x40] =	vst v6  }
0x76: {  	v11 =	vshra.s32 v5, $0x1;
	v8 =	vshra.s32 v14, $0x1;
	v16 =	vld [tilespmem:s25+$0xFFFFFFD0];
	v9 =	vsel vm2, $0x3F800000, v0;
	[tilespmem:s22+$0x0] =	vst v3  }
0x77: {  	v6 =	vmul.f32 $5.000000000e-01, v5;
	v18 =	vsub.s32 $0x5F3759DF, v8;
	vm3 =	veq.s32 v10, v1;
	v19 =	vld [tilespmem:s25+$0xFFFFFFF0]  }
0x78: {  	v2 =	vmul.f32 v2, v2;
	v8 =	vmul.f32 v18, v13;
	v10 =	vld [tilespmem:s25+$0x10];
	vm2 =	veq.s32 v4, v1  }
0x79: {  	v3 =	vsel vm3, $0x3F800000, v0;
	v13 =	vld [tilespmem:s25+$0xFFFFFFE0];
	v20 =	vunpack.i.u.bf16.f32 v12;
	v4 =	vunpack.i.l.bf16.f32 v12  }
0x7a: {  	v21 =	vmul.f32 v18, v8;
	v12 =	vmul.f32 v7, v7;
	v22 =	vunpack.i.l.bf16.f32 v15;
	v23 =	vld [tilespmem:s25+$0x20];
	[tilespmem:s22+$0x70] =	vst v2  }
0x7b: {  	v4 =	vadd.f32 $9.999999960e-13, v4;
	v2 =	vunpack.i.u.bf16.f32 v16;
	v7 =	vunpack.i.l.bf16.f32 v16  }
0x7c: {  	v7 =	vadd.f32 $9.999999960e-13, v7;
	v8 =	vadd.f32 $9.999999960e-13, v2;
	v2 =	vunpack.i.l.bf16.f32 v19;
	[tilespmem:s22+$0x10] =	vst v12;
	s22 =	smov.u32 s21  }
0x7d: {  	v12 =	vadd.f32 $9.999999960e-13, v2;
	v24 =	vunpack.i.u.bf16.f32 v10;
	v2 =	vunpack.i.l.bf16.f32 v10  }
0x7e: {  	v10 =	vunpack.i.l.bf16.f32 v13;
	v25 =	vadd.f32 $9.999999960e-13, v2;
	v16 =	vld [tilespmem:s24+$0xFFFFFE70];
	v2 =	vadd.f32 $9.999999960e-13, v20  }
0x7f: {  	v26 =	vmul.f32 $5.000000000e-01, v4;
	v20 =	vadd.f32 $9.999999960e-13, v10;
	v10 =	vunpack.i.l.bf16.f32 v23  }
0x80: {  	v27 =	vshra.s32 v7, $0x1;
	v28 =	vshra.s32 v25, $0x1;
	v29 =	vadd.f32 $9.999999960e-13, v10  }
0x81: {  	v31 =	vmul.f32 $5.000000000e-01, v12;
	v10 =	vshra.s32 v20, $0x1;
	v30 =	vmul.f32 $5.000000000e-01, v20  }
0x82: {  	v32 =	vunpack.i.u.bf16.f32 v15;
	v15 =	vshra.s32 v29, $0x1;
	v33 =	vmul.f32 $5.000000000e-01, v29  }
0x83: {  	v13 =	vunpack.i.u.bf16.f32 v13;
	v34 =	vsub.s32 $0x5F3759DF, v15;
	vm3 =	veq.s32 v16, v1  }
0x84: {  	v35 =	vsub.s32 $0x5F3759DF, v10;
	v15 =	vmul.f32 v34, v33;
	v10 =	vsel vm3, $0x3F800000, v0  }
0x85: {  	v30 =	vmul.f32 v35, v30;
	v33 =	vadd.f32 $9.999999960e-13, v13;
	v13 =	vunpack.i.u.bf16.f32 v23  }
0x86: {  	v16 =	vsub.s32 $0x5F3759DF, v27;
	v23 =	vmul.f32 $5.000000000e-01, v25;
	v15 =	vmul.f32 v34, v15  }
0x87: {  	v19 =	vunpack.i.u.bf16.f32 v19;
	v28 =	vsub.s32 $0x5F3759DF, v28;
	v27 =	vmul.f32 v35, v30  }
0x88: {  	v36 =	vshra.s32 v4, $0x1;
	v23 =	vmul.f32 v28, v23;
	v30 =	vsub.f32 $1.500000000e+00, v15  }
0x89: {  	v37 =	vshra.s32 v8, $0x1;
	v27 =	vsub.f32 $1.500000000e+00, v27;
	v15 =	vadd.f32 $9.999999960e-13, v13  }
0x8a: {  	v23 =	vmul.f32 v28, v23;
	v13 =	vsub.s32 $0x5F3759DF, v36;
	v30 =	vmul.f32 v34, v30  }
0x8b: {  	vm3 =	veq.s32 v17, v1;
	v34 =	vsub.s32 $0x5F3759DF, v37;
	v17 =	vshra.s32 v15, $0x1  }
0x8c: {  	v19 =	vadd.f32 $9.999999960e-13, v19;
	v23 =	vsub.f32 $1.500000000e+00, v23;
	v29 =	vmul.f32 v30, v29  }
0x8d: {  	v27 =	vmul.f32 v35, v27;
	v35 =	vsel vm2, $0x3F800000, v0;
	v30 =	vsel vm3, $0x3F800000, v0  }
0x8e: {  	v36 =	vshra.s32 v12, $0x1;
	v26 =	vmul.f32 v13, v26;
	v29 =	vsub.f32 v35, v29  }
0x8f: {  	v24 =	vadd.f32 $9.999999960e-13, v24;
	v20 =	vmul.f32 v27, v20;
	v23 =	vmul.f32 v28, v23;
	v27 =	vld [tilespmem:s24+$0xFFFFFE40]  }
0x90: {  	v28 =	vmul.f32 $5.000000000e-01, v33;
	v35 =	vsub.s32 $0x5F3759DF, v36;
	v29 =	vmul.f32 v29, v29  }
0x91: {  	v38 =	vmul.f32 $5.000000000e-01, v24;
	v37 =	vshra.s32 v24, $0x1;
	v36 =	vmul.f32 $5.000000000e-01, v8  }
0x92: {  	v21 =	vsub.f32 $1.500000000e+00, v21;
	v37 =	vsub.s32 $0x5F3759DF, v37;
	v17 =	vsub.s32 $0x5F3759DF, v17;
	[tilespmem:s21+$0xFFFFF060] =	vst v29  }
0x93: {  	v22 =	vadd.f32 $9.999999960e-13, v22;
	v23 =	vmul.f32 v23, v25;
	v25 =	vmul.f32 v37, v38;
	v29 =	vld [tilespmem:s24+$0x60]  }
0x94: {  	v18 =	vmul.f32 v18, v21;
	v21 =	vmul.f32 v35, v31;
	vm2 =	veq.s32 v27, v1  }
0x95: {  	v31 =	vshra.s32 v19, $0x1;
	v25 =	vmul.f32 v37, v25;
	v27 =	vmul.f32 v34, v36  }
0x96: {  	v14 =	vmul.f32 v18, v14;
	v18 =	vsub.s32 $0x5F3759DF, v31;
	v31 =	vmul.f32 $5.000000000e-01, v22  }
0x97: {  	v25 =	vsub.f32 $1.500000000e+00, v25;
	v36 =	vshra.s32 v33, $0x1;
	v27 =	vmul.f32 v34, v27  }
0x98: {  	v38 =	vmul.f32 $5.000000000e-01, v19;
	v36 =	vsub.s32 $0x5F3759DF, v36;
	vm3 =	veq.s32 v29, v1  }
0x99: {  	v20 =	vsub.f32 v30, v20;
	v25 =	vmul.f32 v37, v25;
	v29 =	vsel vm3, $0x3F800000, v0  }
0x9a: {  	v30 =	vshra.s32 v22, $0x1;
	v28 =	vmul.f32 v36, v28;
	v27 =	vsub.f32 $1.500000000e+00, v27  }
0x9b: {  	v30 =	vsub.s32 $0x5F3759DF, v30;
	v20 =	vmul.f32 v20, v20;
	v21 =	vmul.f32 v35, v21  }
0x9c: {  	v24 =	vmul.f32 v25, v24;
	v27 =	vmul.f32 v34, v27;
	v34 =	vsel vm1, $0x3F800000, v0  }
0x9d: {  	v11 =	vsub.s32 $0x5F3759DF, v11;
	v25 =	vmul.f32 $5.000000000e-01, v7;
	[tilespmem:s21+$0xFFFFF020] =	vst v20;
	v20 =	vmul.f32 v36, v28  }
0x9e: {  	v21 =	vsub.f32 $1.500000000e+00, v21;
	v37 =	vmul.f32 v18, v38;
	v38 =	vmul.f32 $5.000000000e-01, v15;
	v28 =	vld [tilespmem:s24+$0x20]  }
0x9f: {  	v39 =	vmul.f32 v11, v6;
	v25 =	vmul.f32 v16, v25;
	v20 =	vsub.f32 $1.500000000e+00, v20  }
0xa0: {  	v6 =	vadd.f32 $9.999999960e-13, v32;
	v21 =	vmul.f32 v35, v21;
	v35 =	vmul.f32 v18, v37  }
0xa1: {  	v32 =	vmul.f32 v11, v39;
	v37 =	vsel vm0, $0x3F800000, v0;
	v38 =	vmul.f32 v17, v38  }
0xa2: {  	v31 =	vmul.f32 v30, v31;
	v35 =	vsub.f32 $1.500000000e+00, v35;
	v20 =	vmul.f32 v36, v20  }
0xa3: {  	v32 =	vsub.f32 $1.500000000e+00, v32;
	v12 =	vmul.f32 v21, v12;
	vm0 =	veq.s32 v28, v1  }
0xa4: {  	v20 =	vmul.f32 v20, v33;
	v28 =	vmul.f32 v17, v38;
	v21 =	vsel vm0, $0x3F800000, v0  }
0xa5: {  	v11 =	vmul.f32 v11, v32;
	v25 =	vmul.f32 v16, v25;
	v12 =	vsub.f32 v34, v12  }
0xa6: {  	v9 =	vsub.f32 v9, v23;
	v31 =	vmul.f32 v30, v31;
	v23 =	vsub.f32 $1.500000000e+00, v28  }
0xa7: {  	v5 =	vmul.f32 v11, v5;
	v18 =	vmul.f32 v18, v35;
	v11 =	vsub.f32 $1.500000000e+00, v25  }
0xa8: {  	v9 =	vmul.f32 v9, v9;
	v12 =	vmul.f32 v12, v12;
	v20 =	vsub.f32 v21, v20  }
0xa9: {  	v5 =	vsub.f32 v37, v5;
	v11 =	vmul.f32 v16, v11;
	v16 =	vmul.f32 v18, v19  }
0xaa: {  	v18 =	vmul.f32 v20, v20;
	v17 =	vmul.f32 v17, v23;
	[tilespmem:s21+$0xFFFFF030] =	vst v12;
	v12 =	vsel vm2, $0x3F800000, v0  }
0xab: {  	v5 =	vmul.f32 v5, v5;
	v20 =	vshra.s32 v6, $0x1;
	v19 =	vld [tilespmem:s24+$0x30];
	[tilespmem:s21+$0xFFFFF050] =	vst v9;
	v9 =	vmul.f32 v13, v26  }
0xac: {  	v15 =	vmul.f32 v17, v15;
	v17 =	vmul.f32 $5.000000000e-01, v2;
	[tilespmem:s21+$0x20] =	vst v18;
	v18 =	vsub.f32 $1.500000000e+00, v31  }
0xad: {  	v11 =	vmul.f32 v11, v7;
	v7 =	vmul.f32 v27, v8;
	v8 =	vsub.f32 $1.500000000e+00, v9  }
0xae: {  	v15 =	vsub.f32 v29, v15;
	[tilespmem:s21+$0xFFFFF000] =	vst v5;
	v5 =	vmul.f32 v30, v18;
	v18 =	vsub.s32 $0x5F3759DF, v20;
	v9 =	vld [tilespmem:s24+$0x50]  }
0xaf: {  	v3 =	vsub.f32 v3, v11;
	v11 =	vmul.f32 $5.000000000e-01, v6;
	v20 =	vld [tilespmem:s24+$0x0];
	v8 =	vmul.f32 v13, v8  }
0xb0: {  	v13 =	vmul.f32 v15, v15;
	vm0 =	veq.s32 v19, v1;
	v5 =	vmul.f32 v5, v22  }
0xb1: {  	v3 =	vmul.f32 v3, v3;
	v15 =	vsel vm0, $0x3F800000, v0;
	v4 =	vmul.f32 v8, v4  }
0xb2: {  	v11 =	vmul.f32 v18, v11;
	v8 =	vsub.f32 v15, v16;
	v5 =	vsub.f32 v12, v5;
	[tilespmem:s21+$0x60] =	vst v13  }
0xb3: {  	[tilespmem:s21+$0xFFFFF010] =	vst v3;
	vm0 =	veq.s32 v9, v1;
	v3 =	vsub.f32 v10, v4;
	v4 =	vshra.s32 v2, $0x1  }
0xb4: {  	v9 =	vmul.f32 v18, v11;
	vm1 =	veq.s32 v20, v1;
	v12 =	vld [tilespmem:s24+$0x10];
	v5 =	vmul.f32 v5, v5  }
.Ltmp0:
0xb5: {  	v4 =	vsub.s32 $0x5F3759DF, v4;
	v10 =	vsel vm1, $0x3F800000, v0;
	v3 =	vmul.f32 v3, v3;
	(pc) =	sbr.rel @p0 .LBB2_3-.Ltmp0, $4  }
0xb6: {  	v8 =	vmul.f32 v8, v8;
	v11 =	vmul.f32 v4, v17;
	v10 =	vsub.f32 v10, v14;
	[tilespmem:s21+$0xFFFFF040] =	vst v5  }
0xb7: {  	v13 =	vsub.f32 $1.500000000e+00, v9;
	v9 =	vsel vm0, $0x3F800000, v0;
	v5 =	vld [tilespmem:s24+$0x40];
	[tilespmem:s21+$0xFFFFF070] =	vst v3  }
0xb8: {  	v3 =	vmul.f32 v10, v10;
	[tilespmem:s21+$0x30] =	vst v8;
	v8 =	vsub.f32 v9, v24;
	v10 =	vmul.f32 v4, v11;
	v9 =	vld [tilespmem:s24+$0x70]  }
0xb9: {  	s25 =	sadd.s32 $0x400, s25;
	v11 =	vmul.f32 v18, v13;
	s24 =	sadd.s32 $0x80, s24;
	vm0 =	veq.s32 v12, v1  }
0xba: {  	v10 =	vsub.f32 $1.500000000e+00, v10;
	_ =	sdelay $0x1  }
0xbb: {  	v6 =	vmul.f32 v11, v6;
	vm1 =	veq.s32 v5, v1;
	v4 =	vmul.f32 v4, v10  }
0xbc: {  	v5 =	vsel vm1, $0x3F800000, v0  }
0xbd: {  	vm15 =	veq.s32 v9, v1;
	v1 =	vsub.f32 v5, v6;
	v2 =	vmul.f32 v4, v2  }
0xbe: {  	s20 =	sadd.s32 $0x1, s20;
	v61 =	vsel vm15, $0x3F800000, v0  }
0xbf: {  	v62 =	vsel vm0, $0x3F800000, v0;
	p0 =	sne.s32 s20, $0x10;
	v1 =	vmul.f32 v1, v1;
	v2 =	vsub.f32 v61, v2  }
.Ltmp1:
0xc0: {  	v60 =	vmul.f32 v8, v8;
	[tilespmem:s22+$0x0] =	vst v3;
	v63 =	vsub.f32 v62, v7;
	(pc) =	sbr.rel @p0 .LBB2_2-.Ltmp1, $4  }
0xc1: {  	[tilespmem:s22+$0x40] =	vst v1;
	v1 =	vmul.f32 v2, v2  }
0xc2: {  	[tilespmem:s22+$0x50] =	vst v60;
	v2 =	vmul.f32 v63, v63  }
0xc3: {  	[tilespmem:s22+$0x70] =	vst v1  }
0xc4: {  	s19 =	sadd.s32 $0x1, s19;
	[tilespmem:s22+$0x10] =	vst v2  }
0xc5: {  	s19 =	simm.s32 $0x0  }
0xc6: {  	[hbm4b:s7+s19] =	stream.linear.scatter [tilespmem:s14], [sflag:$0x3], $0x4000, $0x38;
	[tilespmem:$0xC400] =	vst v63  }
0xc7: {  	_ =	swait.ge [sflag:s15], $0x2000  }
0xc8: {  	[sflag:s15] =	ssyncset.done $0x0  }
0xc9: {  	s20 =	simm.s32 $0x10;
	[sflag:s15] =	ssyncadd.s32 $0xFFFFE000  }
.LBB2_6:
0xca: {  	s21 =	sor.u32 s4, s20;
	s23 =	sshrl.u32 s20, $0x3;
	s31 =	sshll.u32 s19, $0x9  }
0xcb: {  	v1 =	vmov s21;
	s22 =	sshll.u32 s23, $0xE;
	s21 =	sand.u32 $0xE00, s31  }
0xcc: {  	s24 =	simm.s32 $0x4200;
	s22 =	sor.u32 s21, s22  }
0xcd: {  	v3 =	vld [tilespmem:s24+$0xFFFFFE00];
	s22 =	sshrl.u32 s22, $0x2  }
0xce: {  	v4 =	vld [tilespmem:s24+$0xFFFFFE30];
	s22 =	sor.u32 $0x40, s22  }
0xcf: {  	v2 =	vld [tilespmem:s22+$0xFFFFFFC0]  }
0xd0: {  	v12 =	vld [tilespmem:s22+$0x30]  }
0xd1: {  	v13 =	vld [tilespmem:s22+$0x0]  }
0xd2: {  	v17 =	vld [tilespmem:s22+$0x10]  }
0xd3: {  	v20 =	vld [tilespmem:s22+$0x20]  }
0xd4: {  	v5 =	vld [tilespmem:s24+$0xFFFFFE50]  }
0xd5: {  	v1 =	vld.idx.msk [tilespmem:v1+s11+$0x0], $0xffff  }
0xd6: {  	v8 =	vld [tilespmem:s24+$0xFFFFFE10];
	v6 =	vunpack.i.u.bf16.f32 v2  }
0xd7: {  	v2 =	vunpack.i.l.bf16.f32 v2;
	v18 =	vunpack.i.u.bf16.f32 v12;
	v19 =	vunpack.i.l.bf16.f32 v13  }
0xd8: {  	v9 =	vld [tilespmem:s24+$0xFFFFFE60];
	v21 =	vunpack.i.l.bf16.f32 v17;
	v17 =	vunpack.i.u.bf16.f32 v17;
	v58 =	vunpack.i.l.bf16.f32 v20  }
0xd9: {  	v13 =	vunpack.i.u.bf16.f32 v13;
	v20 =	vunpack.i.u.bf16.f32 v20;
	v11 =	vadd.f32 $9.999999960e-13, v6  }
0xda: {  	v7 =	vadd.f32 $9.999999960e-13, v2;
	vm0 =	veq.s32 v3, v1;
	vm1 =	veq.s32 v4, v1  }
0xdb: {  	vm2 =	veq.s32 v5, v1;
	vm3 =	veq.s32 v8, v1;
	v21 =	vadd.f32 $9.999999960e-13, v21  }
0xdc: {  	v43 =	vld [tilespmem:s24+$0xFFFFFE40];
	v5 =	vunpack.i.l.bf16.f32 v12;
	v20 =	vadd.f32 $9.999999960e-13, v20;
	v17 =	vadd.f32 $9.999999960e-13, v17  }
0xdd: {  	v19 =	vadd.f32 $9.999999960e-13, v19;
	v10 =	vsel vm2, $0x3F800000, v0;
	vm2 =	veq.s32 v9, v1  }
0xde: {  	v24 =	vld [tilespmem:s24+$0xFFFFFE70];
	v5 =	vadd.f32 $9.999999960e-13, v5;
	v2 =	vmul.f32 $5.000000000e-01, v11;
	v14 =	vshra.s32 v7, $0x1  }
0xdf: {  	v4 =	vshra.s32 v11, $0x1;
	v6 =	vmul.f32 $5.000000000e-01, v7;
	v27 =	vshra.s32 v21, $0x1  }
0xe0: {  	v61 =	vmul.f32 $5.000000000e-01, v21;
	v63 =	vshra.s32 v20, $0x1;
	v41 =	vsel vm2, $0x3F800000, v0  }
0xe1: {  	v3 =	vld [tilespmem:s22+$0xFFFFFFD0];
	v37 =	vshra.s32 v17, $0x1;
	v38 =	vmul.f32 $5.000000000e-01, v17;
	vm2 =	veq.s32 v43, v1  }
0xe2: {  	v9 =	vld [tilespmem:s22+$0xFFFFFFE0];
	v53 =	vmul.f32 $5.000000000e-01, v19;
	v16 =	vsub.s32 $0x5F3759DF, v4;
	v4 =	vsel vm3, $0x3F800000, v0  }
0xe3: {  	v34 =	vld [tilespmem:s24+$0xFFFFFE20];
	v25 =	vmul.f32 $5.000000000e-01, v5;
	vm3 =	veq.s32 v24, v1;
	v27 =	vsub.s32 $0x5F3759DF, v27  }
0xe4: {  	v15 =	vld [tilespmem:s22+$0xFFFFFFF0];
	v37 =	vsub.s32 $0x5F3759DF, v37;
	v14 =	vsub.s32 $0x5F3759DF, v14;
	v2 =	vmul.f32 v16, v2  }
0xe5: {  	v35 =	vshra.s32 v5, $0x1;
	v47 =	vmul.f32 v37, v38;
	v39 =	vmul.f32 v14, v6  }
0xe6: {  	v6 =	vadd.f32 $9.999999960e-13, v13;
	v56 =	vmul.f32 v16, v2;
	v2 =	vunpack.i.l.bf16.f32 v3  }
0xe7: {  	v3 =	vunpack.i.u.bf16.f32 v3;
	v23 =	vunpack.i.l.bf16.f32 v9;
	v33 =	vunpack.i.u.bf16.f32 v9  }
0xe8: {  	v9 =	vsel vm3, $0x3F800000, v0;
	vm3 =	veq.s32 v34, v1;
	v8 =	vadd.f32 $9.999999960e-13, v2  }
0xe9: {  	v3 =	vadd.f32 $9.999999960e-13, v3;
	v2 =	vunpack.i.l.bf16.f32 v15;
	v57 =	vadd.f32 $9.999999960e-13, v23  }
0xea: {  	v23 =	vadd.f32 $9.999999960e-13, v58;
	v15 =	vunpack.i.u.bf16.f32 v15;
	v22 =	vadd.f32 $9.999999960e-13, v2  }
0xeb: {  	v40 =	vsel vm3, $0x3F800000, v0;
	v2 =	vadd.f32 $9.999999960e-13, v18;
	v15 =	vadd.f32 $9.999999960e-13, v15  }
0xec: {  	v12 =	vsub.f32 $1.500000000e+00, v56;
	v56 =	vshra.s32 v19, $0x1;
	v28 =	vshra.s32 v57, $0x1  }
0xed: {  	v29 =	vmul.f32 $5.000000000e-01, v57;
	v31 =	vshra.s32 v23, $0x1;
	v32 =	vmul.f32 $5.000000000e-01, v23  }
0xee: {  	v36 =	vshra.s32 v3, $0x1;
	v46 =	vmul.f32 $5.000000000e-01, v3;
	v34 =	vsub.s32 $0x5F3759DF, v56  }
0xef: {  	v30 =	vmul.f32 $5.000000000e-01, v22;
	v31 =	vsub.s32 $0x5F3759DF, v31;
	v59 =	vsub.s32 $0x5F3759DF, v28  }
0xf0: {  	v62 =	vsub.s32 $0x5F3759DF, v36;
	v12 =	vmul.f32 v16, v12;
	v55 =	vmul.f32 $5.000000000e-01, v15  }
0xf1: {  	v42 =	vshra.s32 v22, $0x1;
	v60 =	vmul.f32 v31, v32;
	v29 =	vmul.f32 v59, v29  }
0xf2: {  	v32 =	vadd.f32 $9.999999960e-13, v33;
	v33 =	vmul.f32 v27, v61;
	v45 =	vsub.s32 $0x5F3759DF, v42  }
0xf3: {  	v51 =	vshra.s32 v15, $0x1;
	v50 =	vmul.f32 v62, v46;
	v49 =	vmul.f32 v45, v30  }
0xf4: {  	v52 =	vsub.s32 $0x5F3759DF, v51;
	v11 =	vmul.f32 v12, v11;
	v30 =	vmul.f32 v34, v53  }
0xf5: {  	v28 =	vmul.f32 v31, v60;
	v29 =	vmul.f32 v59, v29;
	v54 =	vshra.s32 v32, $0x1  }
0xf6: {  	v33 =	vmul.f32 v27, v33;
	v44 =	vmul.f32 $5.000000000e-01, v32;
	v36 =	vsub.s32 $0x5F3759DF, v54  }
0xf7: {  	v16 =	vmul.f32 v45, v49;
	v28 =	vsub.f32 $1.500000000e+00, v28;
	v29 =	vsub.f32 $1.500000000e+00, v29  }
0xf8: {  	v30 =	vmul.f32 v34, v30;
	v54 =	vmul.f32 $5.000000000e-01, v2;
	v33 =	vsub.f32 $1.500000000e+00, v33  }
0xf9: {  	v16 =	vsub.f32 $1.500000000e+00, v16;
	v28 =	vmul.f32 v31, v28;
	v24 =	vmul.f32 v59, v29  }
0xfa: {  	v31 =	vsub.s32 $0x5F3759DF, v35;
	v27 =	vmul.f32 v27, v33;
	v29 =	vmul.f32 v36, v44  }
0xfb: {  	v26 =	vshra.s32 v8, $0x1;
	v59 =	vmul.f32 v52, v55;
	v25 =	vmul.f32 v31, v25  }
0xfc: {  	v26 =	vsub.s32 $0x5F3759DF, v26;
	v16 =	vmul.f32 v45, v16;
	v23 =	vmul.f32 v28, v23  }
0xfd: {  	v51 =	vshra.s32 v6, $0x1;
	v18 =	vmul.f32 v24, v57;
	v21 =	vmul.f32 v27, v21  }
0xfe: {  	v60 =	vsel vm1, $0x3F800000, v0;
	v27 =	vmul.f32 v37, v47;
	v24 =	vmul.f32 v62, v50  }
0xff: {  	v55 =	vsub.s32 $0x5F3759DF, v51;
	v57 =	vmul.f32 $5.000000000e-01, v8;
	v58 =	vmul.f32 v36, v29  }
0x100: {  	s23 =	sshll.u32 s23, $0xF;
	v29 =	vmul.f32 v52, v59;
	v47 =	vsel vm2, $0x3F800000, v0;
	v23 =	vsub.f32 v41, v23  }
0x101: {  	s21 =	sor.u32 s21, s23;
	v16 =	vmul.f32 v16, v22;
	v50 =	vmul.f32 v31, v25;
	v27 =	vsub.f32 $1.500000000e+00, v27  }
0x102: {  	s21 =	sshrl.u32 s21, $0x2;
	v18 =	vsub.f32 v40, v18;
	v24 =	vsub.f32 $1.500000000e+00, v24;
	v23 =	vmul.f32 v23, v23  }
0x103: {  	s21 =	sadd.s32 $0x5400, s21;
	v29 =	vsub.f32 $1.500000000e+00, v29;
	v10 =	vsub.f32 v10, v21;
	v27 =	vmul.f32 v37, v27  }
0x104: {  	v18 =	vmul.f32 v18, v18;
	[tilespmem:s21+$0xFFFFF060] =	vst v23;
	v23 =	vsub.s32 $0x5F3759DF, v63;
	v63 =	vmul.f32 v14, v39  }
0x105: {  	v16 =	vsub.f32 v60, v16;
	v24 =	vmul.f32 v62, v24;
	v62 =	vmul.f32 $5.000000000e-01, v20  }
0x106: {  	v12 =	vmul.f32 v52, v29;
	v10 =	vmul.f32 v10, v10;
	v13 =	vsub.f32 $1.500000000e+00, v63  }
0x107: {  	v40 =	vsel vm0, $0x3F800000, v0;
	v17 =	vmul.f32 v27, v17;
	v27 =	vmul.f32 v26, v57  }
0x108: {  	v53 =	vsub.f32 $1.500000000e+00, v50;
	v16 =	vmul.f32 v16, v16;
	[tilespmem:s21+$0xFFFFF020] =	vst v18;
	v48 =	vld [tilespmem:s24+$0x60];
	v13 =	vmul.f32 v14, v13  }
0x109: {  	v18 =	vsub.f32 $1.500000000e+00, v58;
	v61 =	vld [tilespmem:s24+$0x20];
	v38 =	vmul.f32 v23, v62;
	v42 =	vmul.f32 v26, v27  }
0x10a: {  	v52 =	vsub.f32 $1.500000000e+00, v30;
	v58 =	vmul.f32 $5.000000000e-01, v6;
	[tilespmem:s21+$0xFFFFF030] =	vst v16;
	v7 =	vmul.f32 v13, v7  }
0x10b: {  	v18 =	vmul.f32 v36, v18;
	v49 =	vld [tilespmem:s24+$0x30];
	v43 =	vmul.f32 v23, v38;
	v44 =	vsub.f32 $1.500000000e+00, v42  }
0x10c: {  	v12 =	vmul.f32 v12, v15;
	v59 =	vmul.f32 v55, v58;
	v7 =	vsub.f32 v40, v7  }
0x10d: {  	v18 =	vmul.f32 v18, v32;
	v46 =	vsub.f32 $1.500000000e+00, v43;
	v13 =	vmul.f32 v26, v44  }
0x10e: {  	[tilespmem:s21+$0xFFFFF050] =	vst v10;
	vm3 =	veq.s32 v48, v1;
	vm0 =	veq.s32 v61, v1;
	v7 =	vmul.f32 v7, v7  }
0x10f: {  	v56 =	vld [tilespmem:s24+$0x50];
	v28 =	vsel vm3, $0x3F800000, v0;
	v48 =	vmul.f32 v23, v46;
	v8 =	vmul.f32 v13, v8  }
0x110: {  	v41 =	vsel vm0, $0x3F800000, v0;
	vm0 =	veq.s32 v49, v1;
	[tilespmem:s21+$0xFFFFF000] =	vst v7;
	v7 =	vmul.f32 v34, v52  }
0x111: {  	v10 =	vmul.f32 v48, v20;
	v4 =	vsub.f32 v4, v8;
	v8 =	vmul.f32 v31, v53;
	v57 =	vld [tilespmem:s24+$0x0]  }
0x112: {  	v45 =	vsub.f32 v41, v18;
	v18 =	vsel vm0, $0x3F800000, v0;
	v7 =	vmul.f32 v7, v19  }
0x113: {  	v10 =	vsub.f32 v28, v10;
	v4 =	vmul.f32 v4, v4;
	v5 =	vmul.f32 v8, v5  }
0x114: {  	vm0 =	veq.s32 v56, v1;
	v14 =	vmul.f32 v45, v45;
	v7 =	vsub.f32 v47, v7  }
0x115: {  	v8 =	vmul.f32 v10, v10;
	v10 =	vsub.f32 v18, v12;
	[tilespmem:s21+$0xFFFFF010] =	vst v4;
	v4 =	vsub.f32 v9, v5  }
0x116: {  	v5 =	vshra.s32 v2, $0x1;
	v60 =	vld [tilespmem:s24+$0x10];
	vm1 =	veq.s32 v57, v1;
	v7 =	vmul.f32 v7, v7  }
0x117: {  	v9 =	vmul.f32 v55, v59;
	[tilespmem:s21+$0x60] =	vst v8;
	v62 =	vmul.f32 v4, v4;
	v61 =	vsel vm1, $0x3F800000, v0  }
0x118: {  	v10 =	vmul.f32 v10, v10;
	v4 =	vsub.s32 $0x5F3759DF, v5;
	v8 =	vsub.f32 v61, v11;
	[tilespmem:s21+$0xFFFFF040] =	vst v7  }
0x119: {  	v63 =	vsub.f32 $1.500000000e+00, v9;
	v9 =	vsel vm0, $0x3F800000, v0;
	[tilespmem:s21+$0xFFFFF070] =	vst v62;
	v11 =	vmul.f32 v4, v54;
	v5 =	vld [tilespmem:s24+$0x40]  }
0x11a: {  	s23 =	simm.s32 $0x0;
	[tilespmem:s21+$0x20] =	vst v14;
	v7 =	vmul.f32 v24, v3;
	v3 =	vmul.f32 v8, v8;
	v8 =	vsub.f32 v9, v17;
	v9 =	vld [tilespmem:s24+$0x70]  }
0x11b: {  	s25 =	sadd.s32 $0x400, s22;
	s22 =	smov.u32 s21;
	[tilespmem:s21+$0x30] =	vst v10;
	vm0 =	veq.s32 v60, v1;
	v10 =	vmul.f32 v4, v11;
	v11 =	vmul.f32 v55, v63;
	s24 =	simm.s32 $0x4280  }
.LBB2_7:
0x11c: {  	v12 =	vld [tilespmem:s25+$0xFFFFFFC0];
	s23 =	sadd.s32 $0x8, s23;
	s21 =	sadd.s32 $0x400, s21  }
0x11d: {  	v10 =	vsub.f32 $1.500000000e+00, v10;
	v13 =	vld [tilespmem:s24+$0xFFFFFE00];
	p0 =	slt.u32 s23, $0x18;
	v6 =	vmul.f32 v11, v6  }
0x11e: {  	v11 =	vld [tilespmem:s24+$0xFFFFFE30];
	vm1 =	veq.s32 v5, v1;
	v5 =	vmul.f32 v8, v8  }
0x11f: {  	v4 =	vmul.f32 v4, v10;
	v8 =	vld [tilespmem:s24+$0xFFFFFE50];
	v14 =	vsel vm1, $0x3F800000, v0;
	vm1 =	veq.s32 v9, v1  }
0x120: {  	v9 =	vsel vm0, $0x3F800000, v0;
	v10 =	vld [tilespmem:s24+$0xFFFFFE10];
	v6 =	vsub.f32 v14, v6;
	[tilespmem:s22+$0x50] =	vst v5;
	v15 =	vsel vm1, $0x3F800000, v0  }
0x121: {  	v2 =	vmul.f32 v4, v2;
	v5 =	vunpack.i.u.bf16.f32 v12;
	v12 =	vunpack.i.l.bf16.f32 v12;
	v17 =	vld [tilespmem:s24+$0xFFFFFE20]  }
0x122: {  	vm0 =	veq.s32 v13, v1;
	v14 =	vadd.f32 $9.999999960e-13, v5;
	v4 =	vld [tilespmem:s24+$0xFFFFFE60];
	v6 =	vmul.f32 v6, v6  }
0x123: {  	v5 =	vadd.f32 $9.999999960e-13, v12;
	v2 =	vsub.f32 v15, v2;
	vm1 =	veq.s32 v11, v1;
	v12 =	vld [tilespmem:s25+$0x30]  }
0x124: {  	v7 =	vsub.f32 v9, v7;
	v13 =	vmul.f32 $5.000000000e-01, v14;
	v15 =	vld [tilespmem:s25+$0x0];
	vm2 =	veq.s32 v8, v1;
	[tilespmem:s22+$0x40] =	vst v6  }
0x125: {  	v11 =	vshra.s32 v5, $0x1;
	v8 =	vshra.s32 v14, $0x1;
	v16 =	vld [tilespmem:s25+$0xFFFFFFD0];
	v9 =	vsel vm2, $0x3F800000, v0;
	[tilespmem:s22+$0x0] =	vst v3  }
0x126: {  	v6 =	vmul.f32 $5.000000000e-01, v5;
	v18 =	vsub.s32 $0x5F3759DF, v8;
	vm3 =	veq.s32 v10, v1;
	v19 =	vld [tilespmem:s25+$0xFFFFFFF0]  }
0x127: {  	v2 =	vmul.f32 v2, v2;
	v8 =	vmul.f32 v18, v13;
	v10 =	vld [tilespmem:s25+$0x10];
	vm2 =	veq.s32 v4, v1  }
0x128: {  	v3 =	vsel vm3, $0x3F800000, v0;
	v13 =	vld [tilespmem:s25+$0xFFFFFFE0];
	v20 =	vunpack.i.u.bf16.f32 v12;
	v4 =	vunpack.i.l.bf16.f32 v12  }
0x129: {  	v21 =	vmul.f32 v18, v8;
	v12 =	vmul.f32 v7, v7;
	v22 =	vunpack.i.l.bf16.f32 v15;
	v23 =	vld [tilespmem:s25+$0x20];
	[tilespmem:s22+$0x70] =	vst v2  }
0x12a: {  	v4 =	vadd.f32 $9.999999960e-13, v4;
	v2 =	vunpack.i.u.bf16.f32 v16;
	v7 =	vunpack.i.l.bf16.f32 v16  }
0x12b: {  	v7 =	vadd.f32 $9.999999960e-13, v7;
	v8 =	vadd.f32 $9.999999960e-13, v2;
	v2 =	vunpack.i.l.bf16.f32 v19;
	[tilespmem:s22+$0x10] =	vst v12;
	s22 =	smov.u32 s21  }
0x12c: {  	v12 =	vadd.f32 $9.999999960e-13, v2;
	v24 =	vunpack.i.u.bf16.f32 v10;
	v2 =	vunpack.i.l.bf16.f32 v10  }
0x12d: {  	v10 =	vunpack.i.l.bf16.f32 v13;
	v25 =	vadd.f32 $9.999999960e-13, v2;
	v16 =	vld [tilespmem:s24+$0xFFFFFE70];
	v2 =	vadd.f32 $9.999999960e-13, v20  }
0x12e: {  	v26 =	vmul.f32 $5.000000000e-01, v4;
	v20 =	vadd.f32 $9.999999960e-13, v10;
	v10 =	vunpack.i.l.bf16.f32 v23  }
0x12f: {  	v27 =	vshra.s32 v7, $0x1;
	v28 =	vshra.s32 v25, $0x1;
	v29 =	vadd.f32 $9.999999960e-13, v10  }
0x130: {  	v31 =	vmul.f32 $5.000000000e-01, v12;
	v10 =	vshra.s32 v20, $0x1;
	v30 =	vmul.f32 $5.000000000e-01, v20  }
0x131: {  	v32 =	vunpack.i.u.bf16.f32 v15;
	v15 =	vshra.s32 v29, $0x1;
	v33 =	vmul.f32 $5.000000000e-01, v29  }
0x132: {  	v13 =	vunpack.i.u.bf16.f32 v13;
	v34 =	vsub.s32 $0x5F3759DF, v15;
	vm3 =	veq.s32 v16, v1  }
0x133: {  	v35 =	vsub.s32 $0x5F3759DF, v10;
	v15 =	vmul.f32 v34, v33;
	v10 =	vsel vm3, $0x3F800000, v0  }
0x134: {  	v30 =	vmul.f32 v35, v30;
	v33 =	vadd.f32 $9.999999960e-13, v13;
	v13 =	vunpack.i.u.bf16.f32 v23  }
0x135: {  	v16 =	vsub.s32 $0x5F3759DF, v27;
	v23 =	vmul.f32 $5.000000000e-01, v25;
	v15 =	vmul.f32 v34, v15  }
0x136: {  	v19 =	vunpack.i.u.bf16.f32 v19;
	v28 =	vsub.s32 $0x5F3759DF, v28;
	v27 =	vmul.f32 v35, v30  }
0x137: {  	v36 =	vshra.s32 v4, $0x1;
	v23 =	vmul.f32 v28, v23;
	v30 =	vsub.f32 $1.500000000e+00, v15  }
0x138: {  	v37 =	vshra.s32 v8, $0x1;
	v27 =	vsub.f32 $1.500000000e+00, v27;
	v15 =	vadd.f32 $9.999999960e-13, v13  }
0x139: {  	v23 =	vmul.f32 v28, v23;
	v13 =	vsub.s32 $0x5F3759DF, v36;
	v30 =	vmul.f32 v34, v30  }
0x13a: {  	vm3 =	veq.s32 v17, v1;
	v34 =	vsub.s32 $0x5F3759DF, v37;
	v17 =	vshra.s32 v15, $0x1  }
0x13b: {  	v19 =	vadd.f32 $9.999999960e-13, v19;
	v23 =	vsub.f32 $1.500000000e+00, v23;
	v29 =	vmul.f32 v30, v29  }
0x13c: {  	v27 =	vmul.f32 v35, v27;
	v35 =	vsel vm2, $0x3F800000, v0;
	v30 =	vsel vm3, $0x3F800000, v0  }
0x13d: {  	v36 =	vshra.s32 v12, $0x1;
	v26 =	vmul.f32 v13, v26;
	v29 =	vsub.f32 v35, v29  }
0x13e: {  	v24 =	vadd.f32 $9.999999960e-13, v24;
	v20 =	vmul.f32 v27, v20;
	v23 =	vmul.f32 v28, v23;
	v27 =	vld [tilespmem:s24+$0xFFFFFE40]  }
0x13f: {  	v28 =	vmul.f32 $5.000000000e-01, v33;
	v35 =	vsub.s32 $0x5F3759DF, v36;
	v29 =	vmul.f32 v29, v29  }
0x140: {  	v38 =	vmul.f32 $5.000000000e-01, v24;
	v37 =	vshra.s32 v24, $0x1;
	v36 =	vmul.f32 $5.000000000e-01, v8  }
0x141: {  	v21 =	vsub.f32 $1.500000000e+00, v21;
	v37 =	vsub.s32 $0x5F3759DF, v37;
	v17 =	vsub.s32 $0x5F3759DF, v17;
	[tilespmem:s21+$0xFFFFF060] =	vst v29  }
0x142: {  	v22 =	vadd.f32 $9.999999960e-13, v22;
	v23 =	vmul.f32 v23, v25;
	v25 =	vmul.f32 v37, v38;
	v29 =	vld [tilespmem:s24+$0x60]  }
0x143: {  	v18 =	vmul.f32 v18, v21;
	v21 =	vmul.f32 v35, v31;
	vm2 =	veq.s32 v27, v1  }
0x144: {  	v31 =	vshra.s32 v19, $0x1;
	v25 =	vmul.f32 v37, v25;
	v27 =	vmul.f32 v34, v36  }
0x145: {  	v14 =	vmul.f32 v18, v14;
	v18 =	vsub.s32 $0x5F3759DF, v31;
	v31 =	vmul.f32 $5.000000000e-01, v22  }
0x146: {  	v25 =	vsub.f32 $1.500000000e+00, v25;
	v36 =	vshra.s32 v33, $0x1;
	v27 =	vmul.f32 v34, v27  }
0x147: {  	v38 =	vmul.f32 $5.000000000e-01, v19;
	v36 =	vsub.s32 $0x5F3759DF, v36;
	vm3 =	veq.s32 v29, v1  }
0x148: {  	v20 =	vsub.f32 v30, v20;
	v25 =	vmul.f32 v37, v25;
	v29 =	vsel vm3, $0x3F800000, v0  }
0x149: {  	v30 =	vshra.s32 v22, $0x1;
	v28 =	vmul.f32 v36, v28;
	v27 =	vsub.f32 $1.500000000e+00, v27  }
0x14a: {  	v30 =	vsub.s32 $0x5F3759DF, v30;
	v20 =	vmul.f32 v20, v20;
	v21 =	vmul.f32 v35, v21  }
0x14b: {  	v24 =	vmul.f32 v25, v24;
	v27 =	vmul.f32 v34, v27;
	v34 =	vsel vm1, $0x3F800000, v0  }
0x14c: {  	v11 =	vsub.s32 $0x5F3759DF, v11;
	v25 =	vmul.f32 $5.000000000e-01, v7;
	[tilespmem:s21+$0xFFFFF020] =	vst v20;
	v20 =	vmul.f32 v36, v28  }
0x14d: {  	v21 =	vsub.f32 $1.500000000e+00, v21;
	v37 =	vmul.f32 v18, v38;
	v38 =	vmul.f32 $5.000000000e-01, v15;
	v28 =	vld [tilespmem:s24+$0x20]  }
0x14e: {  	v39 =	vmul.f32 v11, v6;
	v25 =	vmul.f32 v16, v25;
	v20 =	vsub.f32 $1.500000000e+00, v20  }
0x14f: {  	v6 =	vadd.f32 $9.999999960e-13, v32;
	v21 =	vmul.f32 v35, v21;
	v35 =	vmul.f32 v18, v37  }
0x150: {  	v32 =	vmul.f32 v11, v39;
	v37 =	vsel vm0, $0x3F800000, v0;
	v38 =	vmul.f32 v17, v38  }
0x151: {  	v31 =	vmul.f32 v30, v31;
	v35 =	vsub.f32 $1.500000000e+00, v35;
	v20 =	vmul.f32 v36, v20  }
0x152: {  	v32 =	vsub.f32 $1.500000000e+00, v32;
	v12 =	vmul.f32 v21, v12;
	vm0 =	veq.s32 v28, v1  }
0x153: {  	v20 =	vmul.f32 v20, v33;
	v28 =	vmul.f32 v17, v38;
	v21 =	vsel vm0, $0x3F800000, v0  }
0x154: {  	v11 =	vmul.f32 v11, v32;
	v25 =	vmul.f32 v16, v25;
	v12 =	vsub.f32 v34, v12  }
0x155: {  	v9 =	vsub.f32 v9, v23;
	v31 =	vmul.f32 v30, v31;
	v23 =	vsub.f32 $1.500000000e+00, v28  }
0x156: {  	v5 =	vmul.f32 v11, v5;
	v18 =	vmul.f32 v18, v35;
	v11 =	vsub.f32 $1.500000000e+00, v25  }
0x157: {  	v9 =	vmul.f32 v9, v9;
	v12 =	vmul.f32 v12, v12;
	v20 =	vsub.f32 v21, v20  }
0x158: {  	v5 =	vsub.f32 v37, v5;
	v11 =	vmul.f32 v16, v11;
	v16 =	vmul.f32 v18, v19  }
0x159: {  	v18 =	vmul.f32 v20, v20;
	v17 =	vmul.f32 v17, v23;
	[tilespmem:s21+$0xFFFFF030] =	vst v12;
	v12 =	vsel vm2, $0x3F800000, v0  }
0x15a: {  	v5 =	vmul.f32 v5, v5;
	v20 =	vshra.s32 v6, $0x1;
	v19 =	vld [tilespmem:s24+$0x30];
	[tilespmem:s21+$0xFFFFF050] =	vst v9;
	v9 =	vmul.f32 v13, v26  }
0x15b: {  	v15 =	vmul.f32 v17, v15;
	v17 =	vmul.f32 $5.000000000e-01, v2;
	[tilespmem:s21+$0x20] =	vst v18;
	v18 =	vsub.f32 $1.500000000e+00, v31  }
0x15c: {  	v11 =	vmul.f32 v11, v7;
	v7 =	vmul.f32 v27, v8;
	v8 =	vsub.f32 $1.500000000e+00, v9  }
0x15d: {  	v15 =	vsub.f32 v29, v15;
	[tilespmem:s21+$0xFFFFF000] =	vst v5;
	v5 =	vmul.f32 v30, v18;
	v18 =	vsub.s32 $0x5F3759DF, v20;
	v9 =	vld [tilespmem:s24+$0x50]  }
0x15e: {  	v3 =	vsub.f32 v3, v11;
	v11 =	vmul.f32 $5.000000000e-01, v6;
	v20 =	vld [tilespmem:s24+$0x0];
	v8 =	vmul.f32 v13, v8  }
0x15f: {  	v13 =	vmul.f32 v15, v15;
	vm0 =	veq.s32 v19, v1;
	v5 =	vmul.f32 v5, v22  }
0x160: {  	v3 =	vmul.f32 v3, v3;
	v15 =	vsel vm0, $0x3F800000, v0;
	v4 =	vmul.f32 v8, v4  }
0x161: {  	v11 =	vmul.f32 v18, v11;
	v8 =	vsub.f32 v15, v16;
	v5 =	vsub.f32 v12, v5;
	[tilespmem:s21+$0x60] =	vst v13  }
0x162: {  	[tilespmem:s21+$0xFFFFF010] =	vst v3;
	vm0 =	veq.s32 v9, v1;
	v3 =	vsub.f32 v10, v4;
	v4 =	vshra.s32 v2, $0x1  }
0x163: {  	v9 =	vmul.f32 v18, v11;
	vm1 =	veq.s32 v20, v1;
	v12 =	vld [tilespmem:s24+$0x10];
	v5 =	vmul.f32 v5, v5  }
.Ltmp2:
0x164: {  	v4 =	vsub.s32 $0x5F3759DF, v4;
	v10 =	vsel vm1, $0x3F800000, v0;
	v3 =	vmul.f32 v3, v3;
	(pc) =	sbr.rel @p0 .LBB2_7-.Ltmp2, $4  }
0x165: {  	v8 =	vmul.f32 v8, v8;
	v11 =	vmul.f32 v4, v17;
	v10 =	vsub.f32 v10, v14;
	[tilespmem:s21+$0xFFFFF040] =	vst v5  }
0x166: {  	v13 =	vsub.f32 $1.500000000e+00, v9;
	v9 =	vsel vm0, $0x3F800000, v0;
	v5 =	vld [tilespmem:s24+$0x40];
	[tilespmem:s21+$0xFFFFF070] =	vst v3  }
0x167: {  	v3 =	vmul.f32 v10, v10;
	[tilespmem:s21+$0x30] =	vst v8;
	v8 =	vsub.f32 v9, v24;
	v10 =	vmul.f32 v4, v11;
	v9 =	vld [tilespmem:s24+$0x70]  }
0x168: {  	s25 =	sadd.s32 $0x400, s25;
	v11 =	vmul.f32 v18, v13;
	s24 =	sadd.s32 $0x80, s24;
	vm0 =	veq.s32 v12, v1  }
0x169: {  	v10 =	vsub.f32 $1.500000000e+00, v10;
	_ =	sdelay $0x1  }
0x16a: {  	v6 =	vmul.f32 v11, v6;
	vm1 =	veq.s32 v5, v1;
	v4 =	vmul.f32 v4, v10  }
0x16b: {  	v5 =	vsel vm1, $0x3F800000, v0  }
0x16c: {  	vm15 =	veq.s32 v9, v1;
	v1 =	vsub.f32 v5, v6;
	v2 =	vmul.f32 v4, v2  }
0x16d: {  	s20 =	sadd.s32 $0x1, s20;
	v61 =	vsel vm15, $0x3F800000, v0  }
0x16e: {  	v62 =	vsel vm0, $0x3F800000, v0;
	p0 =	sne.s32 s20, $0x20;
	v1 =	vmul.f32 v1, v1;
	v2 =	vsub.f32 v61, v2  }
.Ltmp3:
0x16f: {  	v60 =	vmul.f32 v8, v8;
	[tilespmem:s22+$0x0] =	vst v3;
	v63 =	vsub.f32 v62, v7;
	(pc) =	sbr.rel @p0 .LBB2_6-.Ltmp3, $4  }
0x170: {  	[tilespmem:s22+$0x40] =	vst v1;
	v1 =	vmul.f32 v2, v2  }
0x171: {  	[tilespmem:s22+$0x50] =	vst v60;
	v2 =	vmul.f32 v63, v63  }
0x172: {  	[tilespmem:s22+$0x70] =	vst v1  }
0x173: {  	s19 =	sadd.s32 $0x1, s19;
	[tilespmem:s22+$0x10] =	vst v2  }
0x174: {  	_ =	swait.ge [sflag:s16], $0x4000;
	s18 =	sadd.s32 $0x1, s18  }
0x175: {  	[sflag:s16] =	ssyncset.done $0x0;
	p0 =	sne.s32 s18, s9  }
.Ltmp4:
0x176: {  	[sflag:s16] =	ssyncadd.s32 $0xFFFFC000;
	(pc) =	sbr.rel @p0 .LBB2_1-.Ltmp4, $4  }
0x177: {  	[hbm4b:s8+s3] =	stream.linear.scatter [tilespmem:s17], [sflag:$0x4], $0x4000, $0x38;
	[tilespmem:$0xC400] =	vst v63  }
0x178: {  	_ =	swait.ge [sflag:s12], $0x4000  }
0x179: {  	[sflag:s12] =	ssyncset.done $0x0  }
0x17a: {  	[sflag:s12] =	ssyncadd.s32 $0xFFFFC000  }
0x17b: {  	_ =	sfence.sel $0x180000  }
0x17c: {  	[bflag:$0x0] =	sbarrier.arrive $0xFFFF  }
0x17d: {  	p0 =	sne.s32 s2, $0x0;
	_ =	strace $0x90000047  }
0x17e: {  	s0 =	sadd.s32 @!p0 $0x100000, s0;
	[bflag:$0x2] =	sbarrier.arrive $0xFFFF  }
0x17f: {  	[sflag:s0] =	ssyncadd.tile.s32 @!p0 $0x1;
	_ =	shalt  }
.Lfunc_end2:
_tile_overlayer_lowered:
.L_overlay_start_2:
0x180: {  	(tag) =	ssettag $0x2  }
0x181: {  	s0 =	rddreg [dreg:$0x0];
	s2 =	stileid.u32  }
0x182: {  	s1 =	rddreg [dreg:$0x1];
	p0 =	sne.s32 s2, $0x0  }
0x183: {  	s3 =	rddreg [dreg:$0x2];
	[bflag:$0x3] =	sbarrier.arrive $0xFFFF;
	s2 =	simm.s32 @!p0 $0x1C04  }
0x184: {  	[timem:s3], [sflag:s2] =	dma.local @!p0 [hbm:s0], s1  }
0x185: {  	s0 =	simm.s32 @!p0 $0x4  }
0x186: {  	_ =	swait.ge @!p0 [sflag:s0], s1  }
0x187: {  	s1 =	ssub.s32 @!p0 $0x0, s1;
	[sflag:s0] =	ssyncset.done @!p0 $0x0  }
0x188: {  	[sflag:s0] =	ssyncadd.s32 @!p0 s1  }
0x189: {  	[bflag:$0x3] =	sbarrier.arrive $0xFFFF  }
0x18a: {  	_ =	shalt  }

</sc_bundles>
